<compile_context>
chip_gen: v7x
topology: tpu7x:2x2x1
jax: 0.10.2.dev20260603
libtpu: 0.0.44.dev20260713+nightly
codegen_flags: <defaults>
</compile_context>

<pallas_src>
import functools

import jax
import jax.numpy as jnp
from jax import lax
from jax.experimental import pallas as pl
from jax.experimental.pallas import tpu as pltpu
from jax.experimental.pallas import tpu_sc as plsc

N_USERS = 1000000
N_ITEMS = 1000000
EMBED_DIM = 32
BATCH = 16384

_info = plsc.get_sparse_core_info()
NC = _info.num_cores
NS = _info.num_subcores
L = _info.num_lanes
NW = NC * NS
B_PER_W = BATCH // NW
IDX_CHUNK = 128
N_CHUNKS = B_PER_W // IDX_CHUNK


def _gau_body(uids_hbm, iids_hbm, ut_hbm, it_hbm, ubt_hbm, ibt_hbm,
              out_hbm, uidx_v, iidx_v, urows_v, irows_v, ub_v, ib_v,
              out_v, tr_v, sem):
    wid = lax.axis_index("s") * NC + lax.axis_index("c")
    base = wid * B_PER_W

    pltpu.sync_copy(uids_hbm.at[wid], uidx_v)
    pltpu.sync_copy(iids_hbm.at[wid], iidx_v)

    copies = []
    for j in range(N_CHUNKS):
        sl = pl.ds(j * IDX_CHUNK, IDX_CHUNK)
        copies.append(pltpu.async_copy(
            ut_hbm.at[uidx_v.at[j]], urows_v.at[sl], sem))
        copies.append(pltpu.async_copy(
            it_hbm.at[iidx_v.at[j]], irows_v.at[sl], sem))
        copies.append(pltpu.async_copy(
            ubt_hbm.at[uidx_v.at[j]], ub_v.at[sl], sem))
        copies.append(pltpu.async_copy(
            ibt_hbm.at[iidx_v.at[j]], ib_v.at[sl], sem))
    for c in copies:
        c.wait()

    perm = lax.iota(jnp.int32, L) * L

    def group(g, _):
        rbase = g * L
        for r in range(L):
            b = rbase + r
            u = urows_v[b, pl.ds(0, EMBED_DIM)]
            i = irows_v[b, pl.ds(0, EMBED_DIM)]
            ue, uo = plsc.unpack(u, format=plsc.PackFormat.INTERLEAVED)
            ie, io = plsc.unpack(i, format=plsc.PackFormat.INTERLEAVED)
            p = ue * ie + uo * io
            plsc.store_scatter(tr_v, [perm + r], p)
        acc = ub_v[pl.ds(rbase, L)] + ib_v[pl.ds(rbase, L)]
        for j in range(L):
            acc = acc + tr_v[pl.ds(j * L, L)]
        out_v[pl.ds(rbase, L)] = acc
        return 0

    lax.fori_loop(0, B_PER_W // L, group, 0)

    pltpu.sync_copy(out_v, out_hbm.at[pl.ds(base, B_PER_W)])


@jax.jit
def _gau_sc(uids_r, iids_r, user_table, item_table, ub_1d, ib_1d):
    mesh = plsc.VectorSubcoreMesh(core_axis_name="c", subcore_axis_name="s")
    k = functools.partial(
        pl.kernel,
        mesh=mesh,
        compiler_params=pltpu.CompilerParams(
            needs_layout_passes=False, use_tc_tiling_on_sc=False),
        out_type=jax.ShapeDtypeStruct((BATCH,), jnp.float32),
        scratch_types=[
            pltpu.VMEM((N_CHUNKS, IDX_CHUNK), jnp.int32),
            pltpu.VMEM((N_CHUNKS, IDX_CHUNK), jnp.int32),
            pltpu.VMEM((B_PER_W, EMBED_DIM), jnp.bfloat16),
            pltpu.VMEM((B_PER_W, EMBED_DIM), jnp.bfloat16),
            pltpu.VMEM((B_PER_W,), jnp.float32),
            pltpu.VMEM((B_PER_W,), jnp.float32),
            pltpu.VMEM((B_PER_W,), jnp.float32),
            pltpu.VMEM((L * L,), jnp.float32),
            pltpu.SemaphoreType.DMA,
        ],
    )(_gau_body)
    return k(uids_r, iids_r, user_table, item_table, ub_1d, ib_1d)


def kernel(uids, iids, user_table, item_table, user_bias_table, item_bias_table):
    uids_r = uids.astype(jnp.int32).reshape(NW, N_CHUNKS, IDX_CHUNK)
    iids_r = iids.astype(jnp.int32).reshape(NW, N_CHUNKS, IDX_CHUNK)
    ub_1d = user_bias_table.reshape(N_USERS)
    ib_1d = item_bias_table.reshape(N_ITEMS)
    ut_bf = user_table.astype(jnp.bfloat16)
    it_bf = item_table.astype(jnp.bfloat16)
    return _gau_sc(uids_r, iids_r, ut_bf, it_bf, ub_1d, ib_1d)

# --- scband reference (transcript-rebuilt; emitter-appended) ---
"""Pipeline reference for scband-gau-57363583206000 (READ-ONLY COPY).

The authoritative reference and input builder live on the scoring server;
editing this copy changes nothing except your own understanding.
"""

import jax, jax.numpy as jnp
import numpy as np

N_USERS = 1000000
N_ITEMS = 1000000
EMBED_DIM = 32
BATCH = 16384


def setup_inputs(seed: int = 0) -> dict:
    key = jax.random.key(seed)
    k_u, k_i, k_ue, k_ie = jax.random.split(key, 4)
    uids = jax.random.randint(k_u, (BATCH,), 0, N_USERS, dtype=jnp.int64 if jax.config.jax_enable_x64 else jnp.int32)
    iids = jax.random.randint(k_i, (BATCH,), 0, N_ITEMS, dtype=jnp.int64 if jax.config.jax_enable_x64 else jnp.int32)
    # ScaledEmbedding: normal init scaled by 1/embedding_dim
    user_table = jax.random.normal(k_ue, (N_USERS, EMBED_DIM), dtype=jnp.float32) / EMBED_DIM
    item_table = jax.random.normal(k_ie, (N_ITEMS, EMBED_DIM), dtype=jnp.float32) / EMBED_DIM
    # ZeroEmbedding: zero-initialized bias tables
    user_bias_table = jnp.zeros((N_USERS, 1), dtype=jnp.float32)
    item_bias_table = jnp.zeros((N_ITEMS, 1), dtype=jnp.float32)
    return {
        "uids": uids,
        "iids": iids,
        "user_table": user_table,
        "item_table": item_table,
        "user_bias_table": user_bias_table,
        "item_bias_table": item_bias_table,
    }


def reference(uids, iids, user_table, item_table, user_bias_table, item_bias_table):
    # user_embeds = self.user_embeddings(uids)  -> gather
    user_embeds = jnp.take(user_table, uids, axis=0)
    item_embeds = jnp.take(item_table, iids, axis=0)
    # torch_utils.flatten -> view(B, -1); already (B, D)
    user_embeds = user_embeds.reshape(user_embeds.shape[0], -1)
    item_embeds = item_embeds.reshape(item_embeds.shape[0], -1)
    user_bias = jnp.take(user_bias_table, uids, axis=0).reshape(uids.shape[0], -1)
    item_bias = jnp.take(item_bias_table, iids, axis=0).reshape(iids.shape[0], -1)
    loss = (user_embeds * item_embeds).sum(axis=1) + jnp.squeeze(user_bias, axis=-1) + jnp.squeeze(item_bias, axis=-1)
    return loss

if __name__ == "__main__":
    import jax
    _d = setup_inputs()
    print(jax.jit(kernel)(*tuple(_d.values())))

</pallas_src>

<mosaic_0001>
#map = affine_map<(d0, d1) -> (0, 0, 0)>
#map1 = affine_map<(d0, d1) -> (0, 0)>
#map2 = affine_map<(d0, d1) -> (0)>
module attributes {stable_mosaic.version = 14 : i64} {
  func.func @_gau_body(%arg0: i32, %arg1: i32, %arg2: memref<32x4x128xi32, #tpu.memory_space<hbm>>, %arg3: memref<32x4x128xi32, #tpu.memory_space<hbm>>, %arg4: memref<1000000x32xbf16, #tpu.memory_space<hbm>>, %arg5: memref<1000000x32xbf16, #tpu.memory_space<hbm>>, %arg6: memref<1000000xf32, #tpu.memory_space<hbm>>, %arg7: memref<1000000xf32, #tpu.memory_space<hbm>>, %arg8: memref<16384xf32, #tpu.memory_space<hbm>>, %arg9: memref<4x128xi32, #tpu.memory_space<vmem>>, %arg10: memref<4x128xi32, #tpu.memory_space<vmem>>, %arg11: memref<512x32xbf16, #tpu.memory_space<vmem>>, %arg12: memref<512x32xbf16, #tpu.memory_space<vmem>>, %arg13: memref<512xf32, #tpu.memory_space<vmem>>, %arg14: memref<512xf32, #tpu.memory_space<vmem>>, %arg15: memref<512xf32, #tpu.memory_space<vmem>>, %arg16: memref<256xf32, #tpu.memory_space<vmem>>, %arg17: memref<!tpu.dma_semaphore, #tpu.memory_space<semaphore_mem>>) attributes {dimension_semantics = [#tpu.dimension_semantics<core_parallel>, #tpu.dimension_semantics<subcore_parallel>], iteration_bounds = array<i64: 2, 16>, scalar_prefetch = 0 : i64, scratch_operands = 9 : i64, tpu.core_type = #tpu.core_type<sc_vector_subcore>, window_params = [{transform_indices = #map}, {transform_indices = #map}, {transform_indices = #map1}, {transform_indices = #map1}, {transform_indices = #map2}, {transform_indices = #map2}, {transform_indices = #map2}]} {
    %mul3A = arith.constant 2 : i32
    %mul3A_0 = arith.muli %arg1, %mul3A : i32
    %add3A = arith.addi %mul3A_0, %arg0 : i32
    %mul3A_1 = arith.constant 512 : i32
    %mul3A_2 = arith.muli %add3A, %mul3A_1 : i32
    "tpu.region"() ({
      %run_scoped3A = tpu.sem_alloc : memref<!tpu.dma_semaphore, #tpu.memory_space<semaphore_mem>>
      %dma_start3A_298 = arith.constant 0 : i32
      %dma_start3A_299 = arith.constant 0 : i32
      %dma_start3A_300 = tpu.memref_slice %arg2[%add3A, %dma_start3A_298, %dma_start3A_299] : memref<32x4x128xi32, #tpu.memory_space<hbm>> -> memref<1x4x128xi32, #tpu.memory_space<hbm>>
      %dma_start3A_301 = tpu.memref_squeeze %dma_start3A_300 : memref<1x4x128xi32, #tpu.memory_space<hbm>> -> memref<4x128xi32, #tpu.memory_space<hbm>>
      %dma_start3A_302 = arith.constant 0 : i32
      %dma_start3A_303 = arith.constant 0 : i32
      %dma_start3A_304 = tpu.memref_slice %arg2[%add3A, %dma_start3A_302, %dma_start3A_303] : memref<32x4x128xi32, #tpu.memory_space<hbm>> -> memref<1x4x128xi32, #tpu.memory_space<hbm>>
      %dma_start3A_305 = tpu.memref_squeeze %dma_start3A_304 : memref<1x4x128xi32, #tpu.memory_space<hbm>> -> memref<4x128xi32, #tpu.memory_space<hbm>>
      tpu.enqueue_dma source(%dma_start3A_305 : memref<4x128xi32, #tpu.memory_space<hbm>>) target(%arg9 : memref<4x128xi32, #tpu.memory_space<vmem>>) target_semaphore(%run_scoped3A : memref<!tpu.dma_semaphore, #tpu.memory_space<semaphore_mem>>)
      %dma_wait3A_306 = arith.constant 0 : i32
      %dma_wait3A_307 = arith.constant 0 : i32
      %dma_wait3A_308 = tpu.memref_slice %arg2[%add3A, %dma_wait3A_306, %dma_wait3A_307] : memref<32x4x128xi32, #tpu.memory_space<hbm>> -> memref<1x4x128xi32, #tpu.memory_space<hbm>>
      %dma_wait3A_309 = tpu.memref_squeeze %dma_wait3A_308 : memref<1x4x128xi32, #tpu.memory_space<hbm>> -> memref<4x128xi32, #tpu.memory_space<hbm>>
      %dma_wait3A_310 = arith.constant 0 : i32
      %dma_wait3A_311 = arith.constant 0 : i32
      %dma_wait3A_312 = tpu.memref_slice %arg2[%add3A, %dma_wait3A_310, %dma_wait3A_311] : memref<32x4x128xi32, #tpu.memory_space<hbm>> -> memref<1x4x128xi32, #tpu.memory_space<hbm>>
      %dma_wait3A_313 = tpu.memref_squeeze %dma_wait3A_312 : memref<1x4x128xi32, #tpu.memory_space<hbm>> -> memref<4x128xi32, #tpu.memory_space<hbm>>
      tpu.wait_dma2 semaphore(%run_scoped3A : memref<!tpu.dma_semaphore, #tpu.memory_space<semaphore_mem>>) src(%dma_wait3A_313 : memref<4x128xi32, #tpu.memory_space<hbm>>) dst(%arg9 : memref<4x128xi32, #tpu.memory_space<vmem>>)
      tpu.yield
    }) : () -> ()
    "tpu.region"() ({
      %run_scoped3A = tpu.sem_alloc : memref<!tpu.dma_semaphore, #tpu.memory_space<semaphore_mem>>
      %dma_start3A_298 = arith.constant 0 : i32
      %dma_start3A_299 = arith.constant 0 : i32
      %dma_start3A_300 = tpu.memref_slice %arg3[%add3A, %dma_start3A_298, %dma_start3A_299] : memref<32x4x128xi32, #tpu.memory_space<hbm>> -> memref<1x4x128xi32, #tpu.memory_space<hbm>>
      %dma_start3A_301 = tpu.memref_squeeze %dma_start3A_300 : memref<1x4x128xi32, #tpu.memory_space<hbm>> -> memref<4x128xi32, #tpu.memory_space<hbm>>
      %dma_start3A_302 = arith.constant 0 : i32
      %dma_start3A_303 = arith.constant 0 : i32
      %dma_start3A_304 = tpu.memref_slice %arg3[%add3A, %dma_start3A_302, %dma_start3A_303] : memref<32x4x128xi32, #tpu.memory_space<hbm>> -> memref<1x4x128xi32, #tpu.memory_space<hbm>>
      %dma_start3A_305 = tpu.memref_squeeze %dma_start3A_304 : memref<1x4x128xi32, #tpu.memory_space<hbm>> -> memref<4x128xi32, #tpu.memory_space<hbm>>
      tpu.enqueue_dma source(%dma_start3A_305 : memref<4x128xi32, #tpu.memory_space<hbm>>) target(%arg10 : memref<4x128xi32, #tpu.memory_space<vmem>>) target_semaphore(%run_scoped3A : memref<!tpu.dma_semaphore, #tpu.memory_space<semaphore_mem>>)
      %dma_wait3A_306 = arith.constant 0 : i32
      %dma_wait3A_307 = arith.constant 0 : i32
      %dma_wait3A_308 = tpu.memref_slice %arg3[%add3A, %dma_wait3A_306, %dma_wait3A_307] : memref<32x4x128xi32, #tpu.memory_space<hbm>> -> memref<1x4x128xi32, #tpu.memory_space<hbm>>
      %dma_wait3A_309 = tpu.memref_squeeze %dma_wait3A_308 : memref<1x4x128xi32, #tpu.memory_space<hbm>> -> memref<4x128xi32, #tpu.memory_space<hbm>>
      %dma_wait3A_310 = arith.constant 0 : i32
      %dma_wait3A_311 = arith.constant 0 : i32
      %dma_wait3A_312 = tpu.memref_slice %arg3[%add3A, %dma_wait3A_310, %dma_wait3A_311] : memref<32x4x128xi32, #tpu.memory_space<hbm>> -> memref<1x4x128xi32, #tpu.memory_space<hbm>>
      %dma_wait3A_313 = tpu.memref_squeeze %dma_wait3A_312 : memref<1x4x128xi32, #tpu.memory_space<hbm>> -> memref<4x128xi32, #tpu.memory_space<hbm>>
      tpu.wait_dma2 semaphore(%run_scoped3A : memref<!tpu.dma_semaphore, #tpu.memory_space<semaphore_mem>>) src(%dma_wait3A_313 : memref<4x128xi32, #tpu.memory_space<hbm>>) dst(%arg10 : memref<4x128xi32, #tpu.memory_space<vmem>>)
      tpu.yield
    }) : () -> ()
    %dma_start3A = arith.constant 0 : i32
    %dma_start3A_3 = arith.constant 0 : i32
    %dma_start3A_4 = arith.constant 0 : i32
    %dma_start3A_5 = tpu.memref_slice %arg11[%dma_start3A_3, %dma_start3A_4] : memref<512x32xbf16, #tpu.memory_space<vmem>> -> memref<128x32xbf16, #tpu.memory_space<vmem>>
    %dma_start3A_6 = arith.constant 0 : i32
    %dma_start3A_7 = tpu.memref_slice %arg9[%dma_start3A, %dma_start3A_6] : memref<4x128xi32, #tpu.memory_space<vmem>> -> memref<1x128xi32, #tpu.memory_space<vmem>>
    %dma_start3A_8 = tpu.memref_squeeze %dma_start3A_7 : memref<1x128xi32, #tpu.memory_space<vmem>> -> memref<128xi32, #tpu.memory_space<vmem>>
    %dma_start3A_9 = arith.constant 0 : i32
    %dma_start3A_10 = arith.constant 0 : i32
    %dma_start3A_11 = tpu.memref_slice %arg4[%dma_start3A_9, %dma_start3A_10] : memref<1000000x32xbf16, #tpu.memory_space<hbm>> -> memref<1000000x32xbf16, #tpu.memory_space<hbm>>
    tpu.enqueue_indirect_dma source(%dma_start3A_11 : memref<1000000x32xbf16, #tpu.memory_space<hbm>>) target(%dma_start3A_5 : memref<128x32xbf16, #tpu.memory_space<vmem>>) offsets(%dma_start3A_8 : memref<128xi32, #tpu.memory_space<vmem>>) semaphore(%arg17 : memref<!tpu.dma_semaphore, #tpu.memory_space<semaphore_mem>>)
    %dma_start3A_12 = arith.constant 0 : i32
    %dma_start3A_13 = arith.constant 0 : i32
    %dma_start3A_14 = arith.constant 0 : i32
    %dma_start3A_15 = tpu.memref_slice %arg12[%dma_start3A_13, %dma_start3A_14] : memref<512x32xbf16, #tpu.memory_space<vmem>> -> memref<128x32xbf16, #tpu.memory_space<vmem>>
    %dma_start3A_16 = arith.constant 0 : i32
    %dma_start3A_17 = tpu.memref_slice %arg10[%dma_start3A_12, %dma_start3A_16] : memref<4x128xi32, #tpu.memory_space<vmem>> -> memref<1x128xi32, #tpu.memory_space<vmem>>
    %dma_start3A_18 = tpu.memref_squeeze %dma_start3A_17 : memref<1x128xi32, #tpu.memory_space<vmem>> -> memref<128xi32, #tpu.memory_space<vmem>>
    %dma_start3A_19 = arith.constant 0 : i32
    %dma_start3A_20 = arith.constant 0 : i32
    %dma_start3A_21 = tpu.memref_slice %arg5[%dma_start3A_19, %dma_start3A_20] : memref<1000000x32xbf16, #tpu.memory_space<hbm>> -> memref<1000000x32xbf16, #tpu.memory_space<hbm>>
    tpu.enqueue_indirect_dma source(%dma_start3A_21 : memref<1000000x32xbf16, #tpu.memory_space<hbm>>) target(%dma_start3A_15 : memref<128x32xbf16, #tpu.memory_space<vmem>>) offsets(%dma_start3A_18 : memref<128xi32, #tpu.memory_space<vmem>>) semaphore(%arg17 : memref<!tpu.dma_semaphore, #tpu.memory_space<semaphore_mem>>)
    %dma_start3A_22 = arith.constant 0 : i32
    %dma_start3A_23 = arith.constant 0 : i32
    %dma_start3A_24 = tpu.memref_slice %arg13[%dma_start3A_23] : memref<512xf32, #tpu.memory_space<vmem>> -> memref<128xf32, #tpu.memory_space<vmem>>
    %dma_start3A_25 = arith.constant 0 : i32
    %dma_start3A_26 = tpu.memref_slice %arg9[%dma_start3A_22, %dma_start3A_25] : memref<4x128xi32, #tpu.memory_space<vmem>> -> memref<1x128xi32, #tpu.memory_space<vmem>>
    %dma_start3A_27 = tpu.memref_squeeze %dma_start3A_26 : memref<1x128xi32, #tpu.memory_space<vmem>> -> memref<128xi32, #tpu.memory_space<vmem>>
    %dma_start3A_28 = arith.constant 0 : i32
    %dma_start3A_29 = tpu.memref_slice %arg6[%dma_start3A_28] : memref<1000000xf32, #tpu.memory_space<hbm>> -> memref<1000000xf32, #tpu.memory_space<hbm>>
    tpu.enqueue_indirect_dma source(%dma_start3A_29 : memref<1000000xf32, #tpu.memory_space<hbm>>) target(%dma_start3A_24 : memref<128xf32, #tpu.memory_space<vmem>>) offsets(%dma_start3A_27 : memref<128xi32, #tpu.memory_space<vmem>>) semaphore(%arg17 : memref<!tpu.dma_semaphore, #tpu.memory_space<semaphore_mem>>)
    %dma_start3A_30 = arith.constant 0 : i32
    %dma_start3A_31 = arith.constant 0 : i32
    %dma_start3A_32 = tpu.memref_slice %arg14[%dma_start3A_31] : memref<512xf32, #tpu.memory_space<vmem>> -> memref<128xf32, #tpu.memory_space<vmem>>
    %dma_start3A_33 = arith.constant 0 : i32
    %dma_start3A_34 = tpu.memref_slice %arg10[%dma_start3A_30, %dma_start3A_33] : memref<4x128xi32, #tpu.memory_space<vmem>> -> memref<1x128xi32, #tpu.memory_space<vmem>>
    %dma_start3A_35 = tpu.memref_squeeze %dma_start3A_34 : memref<1x128xi32, #tpu.memory_space<vmem>> -> memref<128xi32, #tpu.memory_space<vmem>>
    %dma_start3A_36 = arith.constant 0 : i32
    %dma_start3A_37 = tpu.memref_slice %arg7[%dma_start3A_36] : memref<1000000xf32, #tpu.memory_space<hbm>> -> memref<1000000xf32, #tpu.memory_space<hbm>>
    tpu.enqueue_indirect_dma source(%dma_start3A_37 : memref<1000000xf32, #tpu.memory_space<hbm>>) target(%dma_start3A_32 : memref<128xf32, #tpu.memory_space<vmem>>) offsets(%dma_start3A_35 : memref<128xi32, #tpu.memory_space<vmem>>) semaphore(%arg17 : memref<!tpu.dma_semaphore, #tpu.memory_space<semaphore_mem>>)
    %dma_start3A_38 = arith.constant 1 : i32
    %dma_start3A_39 = arith.constant 128 : i32
    %dma_start3A_40 = arith.constant 0 : i32
    %dma_start3A_41 = tpu.memref_slice %arg11[%dma_start3A_39, %dma_start3A_40] : memref<512x32xbf16, #tpu.memory_space<vmem>> -> memref<128x32xbf16, #tpu.memory_space<vmem>>
    %dma_start3A_42 = arith.constant 0 : i32
    %dma_start3A_43 = tpu.memref_slice %arg9[%dma_start3A_38, %dma_start3A_42] : memref<4x128xi32, #tpu.memory_space<vmem>> -> memref<1x128xi32, #tpu.memory_space<vmem>>
    %dma_start3A_44 = tpu.memref_squeeze %dma_start3A_43 : memref<1x128xi32, #tpu.memory_space<vmem>> -> memref<128xi32, #tpu.memory_space<vmem>>
    %dma_start3A_45 = arith.constant 0 : i32
    %dma_start3A_46 = arith.constant 0 : i32
    %dma_start3A_47 = tpu.memref_slice %arg4[%dma_start3A_45, %dma_start3A_46] : memref<1000000x32xbf16, #tpu.memory_space<hbm>> -> memref<1000000x32xbf16, #tpu.memory_space<hbm>>
    tpu.enqueue_indirect_dma source(%dma_start3A_47 : memref<1000000x32xbf16, #tpu.memory_space<hbm>>) target(%dma_start3A_41 : memref<128x32xbf16, #tpu.memory_space<vmem>>) offsets(%dma_start3A_44 : memref<128xi32, #tpu.memory_space<vmem>>) semaphore(%arg17 : memref<!tpu.dma_semaphore, #tpu.memory_space<semaphore_mem>>)
    %dma_start3A_48 = arith.constant 1 : i32
    %dma_start3A_49 = arith.constant 128 : i32
    %dma_start3A_50 = arith.constant 0 : i32
    %dma_start3A_51 = tpu.memref_slice %arg12[%dma_start3A_49, %dma_start3A_50] : memref<512x32xbf16, #tpu.memory_space<vmem>> -> memref<128x32xbf16, #tpu.memory_space<vmem>>
    %dma_start3A_52 = arith.constant 0 : i32
    %dma_start3A_53 = tpu.memref_slice %arg10[%dma_start3A_48, %dma_start3A_52] : memref<4x128xi32, #tpu.memory_space<vmem>> -> memref<1x128xi32, #tpu.memory_space<vmem>>
    %dma_start3A_54 = tpu.memref_squeeze %dma_start3A_53 : memref<1x128xi32, #tpu.memory_space<vmem>> -> memref<128xi32, #tpu.memory_space<vmem>>
    %dma_start3A_55 = arith.constant 0 : i32
    %dma_start3A_56 = arith.constant 0 : i32
    %dma_start3A_57 = tpu.memref_slice %arg5[%dma_start3A_55, %dma_start3A_56] : memref<1000000x32xbf16, #tpu.memory_space<hbm>> -> memref<1000000x32xbf16, #tpu.memory_space<hbm>>
    tpu.enqueue_indirect_dma source(%dma_start3A_57 : memref<1000000x32xbf16, #tpu.memory_space<hbm>>) target(%dma_start3A_51 : memref<128x32xbf16, #tpu.memory_space<vmem>>) offsets(%dma_start3A_54 : memref<128xi32, #tpu.memory_space<vmem>>) semaphore(%arg17 : memref<!tpu.dma_semaphore, #tpu.memory_space<semaphore_mem>>)
    %dma_start3A_58 = arith.constant 1 : i32
    %dma_start3A_59 = arith.constant 128 : i32
    %dma_start3A_60 = tpu.memref_slice %arg13[%dma_start3A_59] : memref<512xf32, #tpu.memory_space<vmem>> -> memref<128xf32, #tpu.memory_space<vmem>>
    %dma_start3A_61 = arith.constant 0 : i32
    %dma_start3A_62 = tpu.memref_slice %arg9[%dma_start3A_58, %dma_start3A_61] : memref<4x128xi32, #tpu.memory_space<vmem>> -> memref<1x128xi32, #tpu.memory_space<vmem>>
    %dma_start3A_63 = tpu.memref_squeeze %dma_start3A_62 : memref<1x128xi32, #tpu.memory_space<vmem>> -> memref<128xi32, #tpu.memory_space<vmem>>
    %dma_start3A_64 = arith.constant 0 : i32
    %dma_start3A_65 = tpu.memref_slice %arg6[%dma_start3A_64] : memref<1000000xf32, #tpu.memory_space<hbm>> -> memref<1000000xf32, #tpu.memory_space<hbm>>
    tpu.enqueue_indirect_dma source(%dma_start3A_65 : memref<1000000xf32, #tpu.memory_space<hbm>>) target(%dma_start3A_60 : memref<128xf32, #tpu.memory_space<vmem>>) offsets(%dma_start3A_63 : memref<128xi32, #tpu.memory_space<vmem>>) semaphore(%arg17 : memref<!tpu.dma_semaphore, #tpu.memory_space<semaphore_mem>>)
    %dma_start3A_66 = arith.constant 1 : i32
    %dma_start3A_67 = arith.constant 128 : i32
    %dma_start3A_68 = tpu.memref_slice %arg14[%dma_start3A_67] : memref<512xf32, #tpu.memory_space<vmem>> -> memref<128xf32, #tpu.memory_space<vmem>>
    %dma_start3A_69 = arith.constant 0 : i32
    %dma_start3A_70 = tpu.memref_slice %arg10[%dma_start3A_66, %dma_start3A_69] : memref<4x128xi32, #tpu.memory_space<vmem>> -> memref<1x128xi32, #tpu.memory_space<vmem>>
    %dma_start3A_71 = tpu.memref_squeeze %dma_start3A_70 : memref<1x128xi32, #tpu.memory_space<vmem>> -> memref<128xi32, #tpu.memory_space<vmem>>
    %dma_start3A_72 = arith.constant 0 : i32
    %dma_start3A_73 = tpu.memref_slice %arg7[%dma_start3A_72] : memref<1000000xf32, #tpu.memory_space<hbm>> -> memref<1000000xf32, #tpu.memory_space<hbm>>
    tpu.enqueue_indirect_dma source(%dma_start3A_73 : memref<1000000xf32, #tpu.memory_space<hbm>>) target(%dma_start3A_68 : memref<128xf32, #tpu.memory_space<vmem>>) offsets(%dma_start3A_71 : memref<128xi32, #tpu.memory_space<vmem>>) semaphore(%arg17 : memref<!tpu.dma_semaphore, #tpu.memory_space<semaphore_mem>>)
    %dma_start3A_74 = arith.constant 2 : i32
    %dma_start3A_75 = arith.constant 256 : i32
    %dma_start3A_76 = arith.constant 0 : i32
    %dma_start3A_77 = tpu.memref_slice %arg11[%dma_start3A_75, %dma_start3A_76] : memref<512x32xbf16, #tpu.memory_space<vmem>> -> memref<128x32xbf16, #tpu.memory_space<vmem>>
    %dma_start3A_78 = arith.constant 0 : i32
    %dma_start3A_79 = tpu.memref_slice %arg9[%dma_start3A_74, %dma_start3A_78] : memref<4x128xi32, #tpu.memory_space<vmem>> -> memref<1x128xi32, #tpu.memory_space<vmem>>
    %dma_start3A_80 = tpu.memref_squeeze %dma_start3A_79 : memref<1x128xi32, #tpu.memory_space<vmem>> -> memref<128xi32, #tpu.memory_space<vmem>>
    %dma_start3A_81 = arith.constant 0 : i32
    %dma_start3A_82 = arith.constant 0 : i32
    %dma_start3A_83 = tpu.memref_slice %arg4[%dma_start3A_81, %dma_start3A_82] : memref<1000000x32xbf16, #tpu.memory_space<hbm>> -> memref<1000000x32xbf16, #tpu.memory_space<hbm>>
    tpu.enqueue_indirect_dma source(%dma_start3A_83 : memref<1000000x32xbf16, #tpu.memory_space<hbm>>) target(%dma_start3A_77 : memref<128x32xbf16, #tpu.memory_space<vmem>>) offsets(%dma_start3A_80 : memref<128xi32, #tpu.memory_space<vmem>>) semaphore(%arg17 : memref<!tpu.dma_semaphore, #tpu.memory_space<semaphore_mem>>)
    %dma_start3A_84 = arith.constant 2 : i32
    %dma_start3A_85 = arith.constant 256 : i32
    %dma_start3A_86 = arith.constant 0 : i32
    %dma_start3A_87 = tpu.memref_slice %arg12[%dma_start3A_85, %dma_start3A_86] : memref<512x32xbf16, #tpu.memory_space<vmem>> -> memref<128x32xbf16, #tpu.memory_space<vmem>>
    %dma_start3A_88 = arith.constant 0 : i32
    %dma_start3A_89 = tpu.memref_slice %arg10[%dma_start3A_84, %dma_start3A_88] : memref<4x128xi32, #tpu.memory_space<vmem>> -> memref<1x128xi32, #tpu.memory_space<vmem>>
    %dma_start3A_90 = tpu.memref_squeeze %dma_start3A_89 : memref<1x128xi32, #tpu.memory_space<vmem>> -> memref<128xi32, #tpu.memory_space<vmem>>
    %dma_start3A_91 = arith.constant 0 : i32
    %dma_start3A_92 = arith.constant 0 : i32
    %dma_start3A_93 = tpu.memref_slice %arg5[%dma_start3A_91, %dma_start3A_92] : memref<1000000x32xbf16, #tpu.memory_space<hbm>> -> memref<1000000x32xbf16, #tpu.memory_space<hbm>>
    tpu.enqueue_indirect_dma source(%dma_start3A_93 : memref<1000000x32xbf16, #tpu.memory_space<hbm>>) target(%dma_start3A_87 : memref<128x32xbf16, #tpu.memory_space<vmem>>) offsets(%dma_start3A_90 : memref<128xi32, #tpu.memory_space<vmem>>) semaphore(%arg17 : memref<!tpu.dma_semaphore, #tpu.memory_space<semaphore_mem>>)
    %dma_start3A_94 = arith.constant 2 : i32
    %dma_start3A_95 = arith.constant 256 : i32
    %dma_start3A_96 = tpu.memref_slice %arg13[%dma_start3A_95] : memref<512xf32, #tpu.memory_space<vmem>> -> memref<128xf32, #tpu.memory_space<vmem>>
    %dma_start3A_97 = arith.constant 0 : i32
    %dma_start3A_98 = tpu.memref_slice %arg9[%dma_start3A_94, %dma_start3A_97] : memref<4x128xi32, #tpu.memory_space<vmem>> -> memref<1x128xi32, #tpu.memory_space<vmem>>
    %dma_start3A_99 = tpu.memref_squeeze %dma_start3A_98 : memref<1x128xi32, #tpu.memory_space<vmem>> -> memref<128xi32, #tpu.memory_space<vmem>>
    %dma_start3A_100 = arith.constant 0 : i32
    %dma_start3A_101 = tpu.memref_slice %arg6[%dma_start3A_100] : memref<1000000xf32, #tpu.memory_space<hbm>> -> memref<1000000xf32, #tpu.memory_space<hbm>>
    tpu.enqueue_indirect_dma source(%dma_start3A_101 : memref<1000000xf32, #tpu.memory_space<hbm>>) target(%dma_start3A_96 : memref<128xf32, #tpu.memory_space<vmem>>) offsets(%dma_start3A_99 : memref<128xi32, #tpu.memory_space<vmem>>) semaphore(%arg17 : memref<!tpu.dma_semaphore, #tpu.memory_space<semaphore_mem>>)
    %dma_start3A_102 = arith.constant 2 : i32
    %dma_start3A_103 = arith.constant 256 : i32
    %dma_start3A_104 = tpu.memref_slice %arg14[%dma_start3A_103] : memref<512xf32, #tpu.memory_space<vmem>> -> memref<128xf32, #tpu.memory_space<vmem>>
    %dma_start3A_105 = arith.constant 0 : i32
    %dma_start3A_106 = tpu.memref_slice %arg10[%dma_start3A_102, %dma_start3A_105] : memref<4x128xi32, #tpu.memory_space<vmem>> -> memref<1x128xi32, #tpu.memory_space<vmem>>
    %dma_start3A_107 = tpu.memref_squeeze %dma_start3A_106 : memref<1x128xi32, #tpu.memory_space<vmem>> -> memref<128xi32, #tpu.memory_space<vmem>>
    %dma_start3A_108 = arith.constant 0 : i32
    %dma_start3A_109 = tpu.memref_slice %arg7[%dma_start3A_108] : memref<1000000xf32, #tpu.memory_space<hbm>> -> memref<1000000xf32, #tpu.memory_space<hbm>>
    tpu.enqueue_indirect_dma source(%dma_start3A_109 : memref<1000000xf32, #tpu.memory_space<hbm>>) target(%dma_start3A_104 : memref<128xf32, #tpu.memory_space<vmem>>) offsets(%dma_start3A_107 : memref<128xi32, #tpu.memory_space<vmem>>) semaphore(%arg17 : memref<!tpu.dma_semaphore, #tpu.memory_space<semaphore_mem>>)
    %dma_start3A_110 = arith.constant 3 : i32
    %dma_start3A_111 = arith.constant 384 : i32
    %dma_start3A_112 = arith.constant 0 : i32
    %dma_start3A_113 = tpu.memref_slice %arg11[%dma_start3A_111, %dma_start3A_112] : memref<512x32xbf16, #tpu.memory_space<vmem>> -> memref<128x32xbf16, #tpu.memory_space<vmem>>
    %dma_start3A_114 = arith.constant 0 : i32
    %dma_start3A_115 = tpu.memref_slice %arg9[%dma_start3A_110, %dma_start3A_114] : memref<4x128xi32, #tpu.memory_space<vmem>> -> memref<1x128xi32, #tpu.memory_space<vmem>>
    %dma_start3A_116 = tpu.memref_squeeze %dma_start3A_115 : memref<1x128xi32, #tpu.memory_space<vmem>> -> memref<128xi32, #tpu.memory_space<vmem>>
    %dma_start3A_117 = arith.constant 0 : i32
    %dma_start3A_118 = arith.constant 0 : i32
    %dma_start3A_119 = tpu.memref_slice %arg4[%dma_start3A_117, %dma_start3A_118] : memref<1000000x32xbf16, #tpu.memory_space<hbm>> -> memref<1000000x32xbf16, #tpu.memory_space<hbm>>
    tpu.enqueue_indirect_dma source(%dma_start3A_119 : memref<1000000x32xbf16, #tpu.memory_space<hbm>>) target(%dma_start3A_113 : memref<128x32xbf16, #tpu.memory_space<vmem>>) offsets(%dma_start3A_116 : memref<128xi32, #tpu.memory_space<vmem>>) semaphore(%arg17 : memref<!tpu.dma_semaphore, #tpu.memory_space<semaphore_mem>>)
    %dma_start3A_120 = arith.constant 3 : i32
    %dma_start3A_121 = arith.constant 384 : i32
    %dma_start3A_122 = arith.constant 0 : i32
    %dma_start3A_123 = tpu.memref_slice %arg12[%dma_start3A_121, %dma_start3A_122] : memref<512x32xbf16, #tpu.memory_space<vmem>> -> memref<128x32xbf16, #tpu.memory_space<vmem>>
    %dma_start3A_124 = arith.constant 0 : i32
    %dma_start3A_125 = tpu.memref_slice %arg10[%dma_start3A_120, %dma_start3A_124] : memref<4x128xi32, #tpu.memory_space<vmem>> -> memref<1x128xi32, #tpu.memory_space<vmem>>
    %dma_start3A_126 = tpu.memref_squeeze %dma_start3A_125 : memref<1x128xi32, #tpu.memory_space<vmem>> -> memref<128xi32, #tpu.memory_space<vmem>>
    %dma_start3A_127 = arith.constant 0 : i32
    %dma_start3A_128 = arith.constant 0 : i32
    %dma_start3A_129 = tpu.memref_slice %arg5[%dma_start3A_127, %dma_start3A_128] : memref<1000000x32xbf16, #tpu.memory_space<hbm>> -> memref<1000000x32xbf16, #tpu.memory_space<hbm>>
    tpu.enqueue_indirect_dma source(%dma_start3A_129 : memref<1000000x32xbf16, #tpu.memory_space<hbm>>) target(%dma_start3A_123 : memref<128x32xbf16, #tpu.memory_space<vmem>>) offsets(%dma_start3A_126 : memref<128xi32, #tpu.memory_space<vmem>>) semaphore(%arg17 : memref<!tpu.dma_semaphore, #tpu.memory_space<semaphore_mem>>)
    %dma_start3A_130 = arith.constant 3 : i32
    %dma_start3A_131 = arith.constant 384 : i32
    %dma_start3A_132 = tpu.memref_slice %arg13[%dma_start3A_131] : memref<512xf32, #tpu.memory_space<vmem>> -> memref<128xf32, #tpu.memory_space<vmem>>
    %dma_start3A_133 = arith.constant 0 : i32
    %dma_start3A_134 = tpu.memref_slice %arg9[%dma_start3A_130, %dma_start3A_133] : memref<4x128xi32, #tpu.memory_space<vmem>> -> memref<1x128xi32, #tpu.memory_space<vmem>>
    %dma_start3A_135 = tpu.memref_squeeze %dma_start3A_134 : memref<1x128xi32, #tpu.memory_space<vmem>> -> memref<128xi32, #tpu.memory_space<vmem>>
    %dma_start3A_136 = arith.constant 0 : i32
    %dma_start3A_137 = tpu.memref_slice %arg6[%dma_start3A_136] : memref<1000000xf32, #tpu.memory_space<hbm>> -> memref<1000000xf32, #tpu.memory_space<hbm>>
    tpu.enqueue_indirect_dma source(%dma_start3A_137 : memref<1000000xf32, #tpu.memory_space<hbm>>) target(%dma_start3A_132 : memref<128xf32, #tpu.memory_space<vmem>>) offsets(%dma_start3A_135 : memref<128xi32, #tpu.memory_space<vmem>>) semaphore(%arg17 : memref<!tpu.dma_semaphore, #tpu.memory_space<semaphore_mem>>)
    %dma_start3A_138 = arith.constant 3 : i32
    %dma_start3A_139 = arith.constant 384 : i32
    %dma_start3A_140 = tpu.memref_slice %arg14[%dma_start3A_139] : memref<512xf32, #tpu.memory_space<vmem>> -> memref<128xf32, #tpu.memory_space<vmem>>
    %dma_start3A_141 = arith.constant 0 : i32
    %dma_start3A_142 = tpu.memref_slice %arg10[%dma_start3A_138, %dma_start3A_141] : memref<4x128xi32, #tpu.memory_space<vmem>> -> memref<1x128xi32, #tpu.memory_space<vmem>>
    %dma_start3A_143 = tpu.memref_squeeze %dma_start3A_142 : memref<1x128xi32, #tpu.memory_space<vmem>> -> memref<128xi32, #tpu.memory_space<vmem>>
    %dma_start3A_144 = arith.constant 0 : i32
    %dma_start3A_145 = tpu.memref_slice %arg7[%dma_start3A_144] : memref<1000000xf32, #tpu.memory_space<hbm>> -> memref<1000000xf32, #tpu.memory_space<hbm>>
    tpu.enqueue_indirect_dma source(%dma_start3A_145 : memref<1000000xf32, #tpu.memory_space<hbm>>) target(%dma_start3A_140 : memref<128xf32, #tpu.memory_space<vmem>>) offsets(%dma_start3A_143 : memref<128xi32, #tpu.memory_space<vmem>>) semaphore(%arg17 : memref<!tpu.dma_semaphore, #tpu.memory_space<semaphore_mem>>)
    %dma_wait3A = arith.constant 0 : i32
    %dma_wait3A_146 = arith.constant 0 : i32
    %dma_wait3A_147 = arith.constant 0 : i32
    %dma_wait3A_148 = tpu.memref_slice %arg11[%dma_wait3A_146, %dma_wait3A_147] : memref<512x32xbf16, #tpu.memory_space<vmem>> -> memref<128x32xbf16, #tpu.memory_space<vmem>>
    %dma_wait3A_149 = arith.constant 0 : i32
    %dma_wait3A_150 = tpu.memref_slice %arg9[%dma_wait3A, %dma_wait3A_149] : memref<4x128xi32, #tpu.memory_space<vmem>> -> memref<1x128xi32, #tpu.memory_space<vmem>>
    %dma_wait3A_151 = tpu.memref_squeeze %dma_wait3A_150 : memref<1x128xi32, #tpu.memory_space<vmem>> -> memref<128xi32, #tpu.memory_space<vmem>>
    %dma_wait3A_152 = arith.constant 0 : i32
    %dma_wait3A_153 = arith.constant 0 : i32
    %dma_wait3A_154 = tpu.memref_slice %arg4[%dma_wait3A_152, %dma_wait3A_153] : memref<1000000x32xbf16, #tpu.memory_space<hbm>> -> memref<1000000x32xbf16, #tpu.memory_space<hbm>>
    tpu.wait_indirect_dma semaphore(%arg17 : memref<!tpu.dma_semaphore, #tpu.memory_space<semaphore_mem>>) src(%dma_wait3A_154 : memref<1000000x32xbf16, #tpu.memory_space<hbm>>) dst(%dma_wait3A_148 : memref<128x32xbf16, #tpu.memory_space<vmem>>)
    %dma_wait3A_155 = arith.constant 0 : i32
    %dma_wait3A_156 = arith.constant 0 : i32
    %dma_wait3A_157 = arith.constant 0 : i32
    %dma_wait3A_158 = tpu.memref_slice %arg12[%dma_wait3A_156, %dma_wait3A_157] : memref<512x32xbf16, #tpu.memory_space<vmem>> -> memref<128x32xbf16, #tpu.memory_space<vmem>>
    %dma_wait3A_159 = arith.constant 0 : i32
    %dma_wait3A_160 = tpu.memref_slice %arg10[%dma_wait3A_155, %dma_wait3A_159] : memref<4x128xi32, #tpu.memory_space<vmem>> -> memref<1x128xi32, #tpu.memory_space<vmem>>
    %dma_wait3A_161 = tpu.memref_squeeze %dma_wait3A_160 : memref<1x128xi32, #tpu.memory_space<vmem>> -> memref<128xi32, #tpu.memory_space<vmem>>
    %dma_wait3A_162 = arith.constant 0 : i32
    %dma_wait3A_163 = arith.constant 0 : i32
    %dma_wait3A_164 = tpu.memref_slice %arg5[%dma_wait3A_162, %dma_wait3A_163] : memref<1000000x32xbf16, #tpu.memory_space<hbm>> -> memref<1000000x32xbf16, #tpu.memory_space<hbm>>
    tpu.wait_indirect_dma semaphore(%arg17 : memref<!tpu.dma_semaphore, #tpu.memory_space<semaphore_mem>>) src(%dma_wait3A_164 : memref<1000000x32xbf16, #tpu.memory_space<hbm>>) dst(%dma_wait3A_158 : memref<128x32xbf16, #tpu.memory_space<vmem>>)
    %dma_wait3A_165 = arith.constant 0 : i32
    %dma_wait3A_166 = arith.constant 0 : i32
    %dma_wait3A_167 = tpu.memref_slice %arg13[%dma_wait3A_166] : memref<512xf32, #tpu.memory_space<vmem>> -> memref<128xf32, #tpu.memory_space<vmem>>
    %dma_wait3A_168 = arith.constant 0 : i32
    %dma_wait3A_169 = tpu.memref_slice %arg9[%dma_wait3A_165, %dma_wait3A_168] : memref<4x128xi32, #tpu.memory_space<vmem>> -> memref<1x128xi32, #tpu.memory_space<vmem>>
    %dma_wait3A_170 = tpu.memref_squeeze %dma_wait3A_169 : memref<1x128xi32, #tpu.memory_space<vmem>> -> memref<128xi32, #tpu.memory_space<vmem>>
    %dma_wait3A_171 = arith.constant 0 : i32
    %dma_wait3A_172 = tpu.memref_slice %arg6[%dma_wait3A_171] : memref<1000000xf32, #tpu.memory_space<hbm>> -> memref<1000000xf32, #tpu.memory_space<hbm>>
    tpu.wait_indirect_dma semaphore(%arg17 : memref<!tpu.dma_semaphore, #tpu.memory_space<semaphore_mem>>) src(%dma_wait3A_172 : memref<1000000xf32, #tpu.memory_space<hbm>>) dst(%dma_wait3A_167 : memref<128xf32, #tpu.memory_space<vmem>>)
    %dma_wait3A_173 = arith.constant 0 : i32
    %dma_wait3A_174 = arith.constant 0 : i32
    %dma_wait3A_175 = tpu.memref_slice %arg14[%dma_wait3A_174] : memref<512xf32, #tpu.memory_space<vmem>> -> memref<128xf32, #tpu.memory_space<vmem>>
    %dma_wait3A_176 = arith.constant 0 : i32
    %dma_wait3A_177 = tpu.memref_slice %arg10[%dma_wait3A_173, %dma_wait3A_176] : memref<4x128xi32, #tpu.memory_space<vmem>> -> memref<1x128xi32, #tpu.memory_space<vmem>>
    %dma_wait3A_178 = tpu.memref_squeeze %dma_wait3A_177 : memref<1x128xi32, #tpu.memory_space<vmem>> -> memref<128xi32, #tpu.memory_space<vmem>>
    %dma_wait3A_179 = arith.constant 0 : i32
    %dma_wait3A_180 = tpu.memref_slice %arg7[%dma_wait3A_179] : memref<1000000xf32, #tpu.memory_space<hbm>> -> memref<1000000xf32, #tpu.memory_space<hbm>>
    tpu.wait_indirect_dma semaphore(%arg17 : memref<!tpu.dma_semaphore, #tpu.memory_space<semaphore_mem>>) src(%dma_wait3A_180 : memref<1000000xf32, #tpu.memory_space<hbm>>) dst(%dma_wait3A_175 : memref<128xf32, #tpu.memory_space<vmem>>)
    %dma_wait3A_181 = arith.constant 1 : i32
    %dma_wait3A_182 = arith.constant 128 : i32
    %dma_wait3A_183 = arith.constant 0 : i32
    %dma_wait3A_184 = tpu.memref_slice %arg11[%dma_wait3A_182, %dma_wait3A_183] : memref<512x32xbf16, #tpu.memory_space<vmem>> -> memref<128x32xbf16, #tpu.memory_space<vmem>>
    %dma_wait3A_185 = arith.constant 0 : i32
    %dma_wait3A_186 = tpu.memref_slice %arg9[%dma_wait3A_181, %dma_wait3A_185] : memref<4x128xi32, #tpu.memory_space<vmem>> -> memref<1x128xi32, #tpu.memory_space<vmem>>
    %dma_wait3A_187 = tpu.memref_squeeze %dma_wait3A_186 : memref<1x128xi32, #tpu.memory_space<vmem>> -> memref<128xi32, #tpu.memory_space<vmem>>
    %dma_wait3A_188 = arith.constant 0 : i32
    %dma_wait3A_189 = arith.constant 0 : i32
    %dma_wait3A_190 = tpu.memref_slice %arg4[%dma_wait3A_188, %dma_wait3A_189] : memref<1000000x32xbf16, #tpu.memory_space<hbm>> -> memref<1000000x32xbf16, #tpu.memory_space<hbm>>
    tpu.wait_indirect_dma semaphore(%arg17 : memref<!tpu.dma_semaphore, #tpu.memory_space<semaphore_mem>>) src(%dma_wait3A_190 : memref<1000000x32xbf16, #tpu.memory_space<hbm>>) dst(%dma_wait3A_184 : memref<128x32xbf16, #tpu.memory_space<vmem>>)
    %dma_wait3A_191 = arith.constant 1 : i32
    %dma_wait3A_192 = arith.constant 128 : i32
    %dma_wait3A_193 = arith.constant 0 : i32
    %dma_wait3A_194 = tpu.memref_slice %arg12[%dma_wait3A_192, %dma_wait3A_193] : memref<512x32xbf16, #tpu.memory_space<vmem>> -> memref<128x32xbf16, #tpu.memory_space<vmem>>
    %dma_wait3A_195 = arith.constant 0 : i32
    %dma_wait3A_196 = tpu.memref_slice %arg10[%dma_wait3A_191, %dma_wait3A_195] : memref<4x128xi32, #tpu.memory_space<vmem>> -> memref<1x128xi32, #tpu.memory_space<vmem>>
    %dma_wait3A_197 = tpu.memref_squeeze %dma_wait3A_196 : memref<1x128xi32, #tpu.memory_space<vmem>> -> memref<128xi32, #tpu.memory_space<vmem>>
    %dma_wait3A_198 = arith.constant 0 : i32
    %dma_wait3A_199 = arith.constant 0 : i32
    %dma_wait3A_200 = tpu.memref_slice %arg5[%dma_wait3A_198, %dma_wait3A_199] : memref<1000000x32xbf16, #tpu.memory_space<hbm>> -> memref<1000000x32xbf16, #tpu.memory_space<hbm>>
    tpu.wait_indirect_dma semaphore(%arg17 : memref<!tpu.dma_semaphore, #tpu.memory_space<semaphore_mem>>) src(%dma_wait3A_200 : memref<1000000x32xbf16, #tpu.memory_space<hbm>>) dst(%dma_wait3A_194 : memref<128x32xbf16, #tpu.memory_space<vmem>>)
    %dma_wait3A_201 = arith.constant 1 : i32
    %dma_wait3A_202 = arith.constant 128 : i32
    %dma_wait3A_203 = tpu.memref_slice %arg13[%dma_wait3A_202] : memref<512xf32, #tpu.memory_space<vmem>> -> memref<128xf32, #tpu.memory_space<vmem>>
    %dma_wait3A_204 = arith.constant 0 : i32
    %dma_wait3A_205 = tpu.memref_slice %arg9[%dma_wait3A_201, %dma_wait3A_204] : memref<4x128xi32, #tpu.memory_space<vmem>> -> memref<1x128xi32, #tpu.memory_space<vmem>>
    %dma_wait3A_206 = tpu.memref_squeeze %dma_wait3A_205 : memref<1x128xi32, #tpu.memory_space<vmem>> -> memref<128xi32, #tpu.memory_space<vmem>>
    %dma_wait3A_207 = arith.constant 0 : i32
    %dma_wait3A_208 = tpu.memref_slice %arg6[%dma_wait3A_207] : memref<1000000xf32, #tpu.memory_space<hbm>> -> memref<1000000xf32, #tpu.memory_space<hbm>>
    tpu.wait_indirect_dma semaphore(%arg17 : memref<!tpu.dma_semaphore, #tpu.memory_space<semaphore_mem>>) src(%dma_wait3A_208 : memref<1000000xf32, #tpu.memory_space<hbm>>) dst(%dma_wait3A_203 : memref<128xf32, #tpu.memory_space<vmem>>)
    %dma_wait3A_209 = arith.constant 1 : i32
    %dma_wait3A_210 = arith.constant 128 : i32
    %dma_wait3A_211 = tpu.memref_slice %arg14[%dma_wait3A_210] : memref<512xf32, #tpu.memory_space<vmem>> -> memref<128xf32, #tpu.memory_space<vmem>>
    %dma_wait3A_212 = arith.constant 0 : i32
    %dma_wait3A_213 = tpu.memref_slice %arg10[%dma_wait3A_209, %dma_wait3A_212] : memref<4x128xi32, #tpu.memory_space<vmem>> -> memref<1x128xi32, #tpu.memory_space<vmem>>
    %dma_wait3A_214 = tpu.memref_squeeze %dma_wait3A_213 : memref<1x128xi32, #tpu.memory_space<vmem>> -> memref<128xi32, #tpu.memory_space<vmem>>
    %dma_wait3A_215 = arith.constant 0 : i32
    %dma_wait3A_216 = tpu.memref_slice %arg7[%dma_wait3A_215] : memref<1000000xf32, #tpu.memory_space<hbm>> -> memref<1000000xf32, #tpu.memory_space<hbm>>
    tpu.wait_indirect_dma semaphore(%arg17 : memref<!tpu.dma_semaphore, #tpu.memory_space<semaphore_mem>>) src(%dma_wait3A_216 : memref<1000000xf32, #tpu.memory_space<hbm>>) dst(%dma_wait3A_211 : memref<128xf32, #tpu.memory_space<vmem>>)
    %dma_wait3A_217 = arith.constant 2 : i32
    %dma_wait3A_218 = arith.constant 256 : i32
    %dma_wait3A_219 = arith.constant 0 : i32
    %dma_wait3A_220 = tpu.memref_slice %arg11[%dma_wait3A_218, %dma_wait3A_219] : memref<512x32xbf16, #tpu.memory_space<vmem>> -> memref<128x32xbf16, #tpu.memory_space<vmem>>
    %dma_wait3A_221 = arith.constant 0 : i32
    %dma_wait3A_222 = tpu.memref_slice %arg9[%dma_wait3A_217, %dma_wait3A_221] : memref<4x128xi32, #tpu.memory_space<vmem>> -> memref<1x128xi32, #tpu.memory_space<vmem>>
    %dma_wait3A_223 = tpu.memref_squeeze %dma_wait3A_222 : memref<1x128xi32, #tpu.memory_space<vmem>> -> memref<128xi32, #tpu.memory_space<vmem>>
    %dma_wait3A_224 = arith.constant 0 : i32
    %dma_wait3A_225 = arith.constant 0 : i32
    %dma_wait3A_226 = tpu.memref_slice %arg4[%dma_wait3A_224, %dma_wait3A_225] : memref<1000000x32xbf16, #tpu.memory_space<hbm>> -> memref<1000000x32xbf16, #tpu.memory_space<hbm>>
    tpu.wait_indirect_dma semaphore(%arg17 : memref<!tpu.dma_semaphore, #tpu.memory_space<semaphore_mem>>) src(%dma_wait3A_226 : memref<1000000x32xbf16, #tpu.memory_space<hbm>>) dst(%dma_wait3A_220 : memref<128x32xbf16, #tpu.memory_space<vmem>>)
    %dma_wait3A_227 = arith.constant 2 : i32
    %dma_wait3A_228 = arith.constant 256 : i32
    %dma_wait3A_229 = arith.constant 0 : i32
    %dma_wait3A_230 = tpu.memref_slice %arg12[%dma_wait3A_228, %dma_wait3A_229] : memref<512x32xbf16, #tpu.memory_space<vmem>> -> memref<128x32xbf16, #tpu.memory_space<vmem>>
    %dma_wait3A_231 = arith.constant 0 : i32
    %dma_wait3A_232 = tpu.memref_slice %arg10[%dma_wait3A_227, %dma_wait3A_231] : memref<4x128xi32, #tpu.memory_space<vmem>> -> memref<1x128xi32, #tpu.memory_space<vmem>>
    %dma_wait3A_233 = tpu.memref_squeeze %dma_wait3A_232 : memref<1x128xi32, #tpu.memory_space<vmem>> -> memref<128xi32, #tpu.memory_space<vmem>>
    %dma_wait3A_234 = arith.constant 0 : i32
    %dma_wait3A_235 = arith.constant 0 : i32
    %dma_wait3A_236 = tpu.memref_slice %arg5[%dma_wait3A_234, %dma_wait3A_235] : memref<1000000x32xbf16, #tpu.memory_space<hbm>> -> memref<1000000x32xbf16, #tpu.memory_space<hbm>>
    tpu.wait_indirect_dma semaphore(%arg17 : memref<!tpu.dma_semaphore, #tpu.memory_space<semaphore_mem>>) src(%dma_wait3A_236 : memref<1000000x32xbf16, #tpu.memory_space<hbm>>) dst(%dma_wait3A_230 : memref<128x32xbf16, #tpu.memory_space<vmem>>)
    %dma_wait3A_237 = arith.constant 2 : i32
    %dma_wait3A_238 = arith.constant 256 : i32
    %dma_wait3A_239 = tpu.memref_slice %arg13[%dma_wait3A_238] : memref<512xf32, #tpu.memory_space<vmem>> -> memref<128xf32, #tpu.memory_space<vmem>>
    %dma_wait3A_240 = arith.constant 0 : i32
    %dma_wait3A_241 = tpu.memref_slice %arg9[%dma_wait3A_237, %dma_wait3A_240] : memref<4x128xi32, #tpu.memory_space<vmem>> -> memref<1x128xi32, #tpu.memory_space<vmem>>
    %dma_wait3A_242 = tpu.memref_squeeze %dma_wait3A_241 : memref<1x128xi32, #tpu.memory_space<vmem>> -> memref<128xi32, #tpu.memory_space<vmem>>
    %dma_wait3A_243 = arith.constant 0 : i32
    %dma_wait3A_244 = tpu.memref_slice %arg6[%dma_wait3A_243] : memref<1000000xf32, #tpu.memory_space<hbm>> -> memref<1000000xf32, #tpu.memory_space<hbm>>
    tpu.wait_indirect_dma semaphore(%arg17 : memref<!tpu.dma_semaphore, #tpu.memory_space<semaphore_mem>>) src(%dma_wait3A_244 : memref<1000000xf32, #tpu.memory_space<hbm>>) dst(%dma_wait3A_239 : memref<128xf32, #tpu.memory_space<vmem>>)
    %dma_wait3A_245 = arith.constant 2 : i32
    %dma_wait3A_246 = arith.constant 256 : i32
    %dma_wait3A_247 = tpu.memref_slice %arg14[%dma_wait3A_246] : memref<512xf32, #tpu.memory_space<vmem>> -> memref<128xf32, #tpu.memory_space<vmem>>
    %dma_wait3A_248 = arith.constant 0 : i32
    %dma_wait3A_249 = tpu.memref_slice %arg10[%dma_wait3A_245, %dma_wait3A_248] : memref<4x128xi32, #tpu.memory_space<vmem>> -> memref<1x128xi32, #tpu.memory_space<vmem>>
    %dma_wait3A_250 = tpu.memref_squeeze %dma_wait3A_249 : memref<1x128xi32, #tpu.memory_space<vmem>> -> memref<128xi32, #tpu.memory_space<vmem>>
    %dma_wait3A_251 = arith.constant 0 : i32
    %dma_wait3A_252 = tpu.memref_slice %arg7[%dma_wait3A_251] : memref<1000000xf32, #tpu.memory_space<hbm>> -> memref<1000000xf32, #tpu.memory_space<hbm>>
    tpu.wait_indirect_dma semaphore(%arg17 : memref<!tpu.dma_semaphore, #tpu.memory_space<semaphore_mem>>) src(%dma_wait3A_252 : memref<1000000xf32, #tpu.memory_space<hbm>>) dst(%dma_wait3A_247 : memref<128xf32, #tpu.memory_space<vmem>>)
    %dma_wait3A_253 = arith.constant 3 : i32
    %dma_wait3A_254 = arith.constant 384 : i32
    %dma_wait3A_255 = arith.constant 0 : i32
    %dma_wait3A_256 = tpu.memref_slice %arg11[%dma_wait3A_254, %dma_wait3A_255] : memref<512x32xbf16, #tpu.memory_space<vmem>> -> memref<128x32xbf16, #tpu.memory_space<vmem>>
    %dma_wait3A_257 = arith.constant 0 : i32
    %dma_wait3A_258 = tpu.memref_slice %arg9[%dma_wait3A_253, %dma_wait3A_257] : memref<4x128xi32, #tpu.memory_space<vmem>> -> memref<1x128xi32, #tpu.memory_space<vmem>>
    %dma_wait3A_259 = tpu.memref_squeeze %dma_wait3A_258 : memref<1x128xi32, #tpu.memory_space<vmem>> -> memref<128xi32, #tpu.memory_space<vmem>>
    %dma_wait3A_260 = arith.constant 0 : i32
    %dma_wait3A_261 = arith.constant 0 : i32
    %dma_wait3A_262 = tpu.memref_slice %arg4[%dma_wait3A_260, %dma_wait3A_261] : memref<1000000x32xbf16, #tpu.memory_space<hbm>> -> memref<1000000x32xbf16, #tpu.memory_space<hbm>>
    tpu.wait_indirect_dma semaphore(%arg17 : memref<!tpu.dma_semaphore, #tpu.memory_space<semaphore_mem>>) src(%dma_wait3A_262 : memref<1000000x32xbf16, #tpu.memory_space<hbm>>) dst(%dma_wait3A_256 : memref<128x32xbf16, #tpu.memory_space<vmem>>)
    %dma_wait3A_263 = arith.constant 3 : i32
    %dma_wait3A_264 = arith.constant 384 : i32
    %dma_wait3A_265 = arith.constant 0 : i32
    %dma_wait3A_266 = tpu.memref_slice %arg12[%dma_wait3A_264, %dma_wait3A_265] : memref<512x32xbf16, #tpu.memory_space<vmem>> -> memref<128x32xbf16, #tpu.memory_space<vmem>>
    %dma_wait3A_267 = arith.constant 0 : i32
    %dma_wait3A_268 = tpu.memref_slice %arg10[%dma_wait3A_263, %dma_wait3A_267] : memref<4x128xi32, #tpu.memory_space<vmem>> -> memref<1x128xi32, #tpu.memory_space<vmem>>
    %dma_wait3A_269 = tpu.memref_squeeze %dma_wait3A_268 : memref<1x128xi32, #tpu.memory_space<vmem>> -> memref<128xi32, #tpu.memory_space<vmem>>
    %dma_wait3A_270 = arith.constant 0 : i32
    %dma_wait3A_271 = arith.constant 0 : i32
    %dma_wait3A_272 = tpu.memref_slice %arg5[%dma_wait3A_270, %dma_wait3A_271] : memref<1000000x32xbf16, #tpu.memory_space<hbm>> -> memref<1000000x32xbf16, #tpu.memory_space<hbm>>
    tpu.wait_indirect_dma semaphore(%arg17 : memref<!tpu.dma_semaphore, #tpu.memory_space<semaphore_mem>>) src(%dma_wait3A_272 : memref<1000000x32xbf16, #tpu.memory_space<hbm>>) dst(%dma_wait3A_266 : memref<128x32xbf16, #tpu.memory_space<vmem>>)
    %dma_wait3A_273 = arith.constant 3 : i32
    %dma_wait3A_274 = arith.constant 384 : i32
    %dma_wait3A_275 = tpu.memref_slice %arg13[%dma_wait3A_274] : memref<512xf32, #tpu.memory_space<vmem>> -> memref<128xf32, #tpu.memory_space<vmem>>
    %dma_wait3A_276 = arith.constant 0 : i32
    %dma_wait3A_277 = tpu.memref_slice %arg9[%dma_wait3A_273, %dma_wait3A_276] : memref<4x128xi32, #tpu.memory_space<vmem>> -> memref<1x128xi32, #tpu.memory_space<vmem>>
    %dma_wait3A_278 = tpu.memref_squeeze %dma_wait3A_277 : memref<1x128xi32, #tpu.memory_space<vmem>> -> memref<128xi32, #tpu.memory_space<vmem>>
    %dma_wait3A_279 = arith.constant 0 : i32
    %dma_wait3A_280 = tpu.memref_slice %arg6[%dma_wait3A_279] : memref<1000000xf32, #tpu.memory_space<hbm>> -> memref<1000000xf32, #tpu.memory_space<hbm>>
    tpu.wait_indirect_dma semaphore(%arg17 : memref<!tpu.dma_semaphore, #tpu.memory_space<semaphore_mem>>) src(%dma_wait3A_280 : memref<1000000xf32, #tpu.memory_space<hbm>>) dst(%dma_wait3A_275 : memref<128xf32, #tpu.memory_space<vmem>>)
    %dma_wait3A_281 = arith.constant 3 : i32
    %dma_wait3A_282 = arith.constant 384 : i32
    %dma_wait3A_283 = tpu.memref_slice %arg14[%dma_wait3A_282] : memref<512xf32, #tpu.memory_space<vmem>> -> memref<128xf32, #tpu.memory_space<vmem>>
    %dma_wait3A_284 = arith.constant 0 : i32
    %dma_wait3A_285 = tpu.memref_slice %arg10[%dma_wait3A_281, %dma_wait3A_284] : memref<4x128xi32, #tpu.memory_space<vmem>> -> memref<1x128xi32, #tpu.memory_space<vmem>>
    %dma_wait3A_286 = tpu.memref_squeeze %dma_wait3A_285 : memref<1x128xi32, #tpu.memory_space<vmem>> -> memref<128xi32, #tpu.memory_space<vmem>>
    %dma_wait3A_287 = arith.constant 0 : i32
    %dma_wait3A_288 = tpu.memref_slice %arg7[%dma_wait3A_287] : memref<1000000xf32, #tpu.memory_space<hbm>> -> memref<1000000xf32, #tpu.memory_space<hbm>>
    tpu.wait_indirect_dma semaphore(%arg17 : memref<!tpu.dma_semaphore, #tpu.memory_space<semaphore_mem>>) src(%dma_wait3A_288 : memref<1000000xf32, #tpu.memory_space<hbm>>) dst(%dma_wait3A_283 : memref<128xf32, #tpu.memory_space<vmem>>)
    %iota3A = tpu.iota {dimensions = array<i32: 0>} : vector<16xi32>
    %mul3A_289 = arith.constant 16 : i32
    %mul3A_290 = vector.broadcast %mul3A_289 : i32 to vector<16xi32>
    %mul3A_291 = arith.muli %iota3A, %mul3A_290 : vector<16xi32>
    %scan3A = arith.constant 0 : i32
    %scan3A_292 = arith.constant 0 : i32
    %scan3A_293 = arith.constant 32 : i32
    %scan3A_294 = arith.addi %scan3A_292, %scan3A_293 : i32
    %scan3A_295 = arith.constant 1 : i32
    %scan3A_296 = scf.for %scan3A_298 = %scan3A_292 to %scan3A_294 step %scan3A_295 iter_args(%scan3A_299 = %scan3A) -> (i32)  : i32 {
      %mul3A_300 = arith.constant 16 : i32
      %mul3A_301 = arith.muli %scan3A_298, %mul3A_300 : i32
      %add3A_302 = arith.constant 0 : i32
      %add3A_303 = arith.addi %mul3A_301, %add3A_302 : i32
      %get3A = arith.index_cast %add3A_303 : i32 to index
      %get3A_304 = arith.constant 0 : index
      %get3A_305 = tpu.vector_load %arg11[%get3A, %get3A_304] {strides = array<i32>} : memref<512x32xbf16, #tpu.memory_space<vmem>>, vector<32xbf16>,
      %get3A_306 = arith.index_cast %add3A_303 : i32 to index
      %get3A_307 = arith.constant 0 : index
      %get3A_308 = tpu.vector_load %arg12[%get3A_306, %get3A_307] {strides = array<i32>} : memref<512x32xbf16, #tpu.memory_space<vmem>>, vector<32xbf16>,
      %unpack3A = tpu.unpack_subelements %get3A_305, 0 {pack_format = #tpu.pack_format<interleaved>} : vector<32xbf16> -> vector<16xf32>
      %unpack3A_309 = tpu.unpack_subelements %get3A_305, 1 {pack_format = #tpu.pack_format<interleaved>} : vector<32xbf16> -> vector<16xf32>
      %unpack3A_310 = tpu.unpack_subelements %get3A_308, 0 {pack_format = #tpu.pack_format<interleaved>} : vector<32xbf16> -> vector<16xf32>
      %unpack3A_311 = tpu.unpack_subelements %get3A_308, 1 {pack_format = #tpu.pack_format<interleaved>} : vector<32xbf16> -> vector<16xf32>
      %mul3A_312 = arith.mulf %unpack3A, %unpack3A_310 : vector<16xf32>
      %mul3A_313 = arith.mulf %unpack3A_309, %unpack3A_311 : vector<16xf32>
      %add3A_314 = arith.addf %mul3A_312, %mul3A_313 : vector<16xf32>
      %add3A_315 = arith.constant 0 : i32
      %add3A_316 = vector.broadcast %add3A_315 : i32 to vector<16xi32>
      %add3A_317 = arith.addi %mul3A_291, %add3A_316 : vector<16xi32>
      tpu.vector_store_idx %arg16[%add3A_317], %add3A_314 : memref<256xf32, #tpu.memory_space<vmem>>[vector<16xi32>], vector<16xf32>,
      %add3A_318 = arith.constant 1 : i32
      %add3A_319 = arith.addi %mul3A_301, %add3A_318 : i32
      %get3A_320 = arith.index_cast %add3A_319 : i32 to index
      %get3A_321 = arith.constant 0 : index
      %get3A_322 = tpu.vector_load %arg11[%get3A_320, %get3A_321] {strides = array<i32>} : memref<512x32xbf16, #tpu.memory_space<vmem>>, vector<32xbf16>,
      %get3A_323 = arith.index_cast %add3A_319 : i32 to index
      %get3A_324 = arith.constant 0 : index
      %get3A_325 = tpu.vector_load %arg12[%get3A_323, %get3A_324] {strides = array<i32>} : memref<512x32xbf16, #tpu.memory_space<vmem>>, vector<32xbf16>,
      %unpack3A_326 = tpu.unpack_subelements %get3A_322, 0 {pack_format = #tpu.pack_format<interleaved>} : vector<32xbf16> -> vector<16xf32>
      %unpack3A_327 = tpu.unpack_subelements %get3A_322, 1 {pack_format = #tpu.pack_format<interleaved>} : vector<32xbf16> -> vector<16xf32>
      %unpack3A_328 = tpu.unpack_subelements %get3A_325, 0 {pack_format = #tpu.pack_format<interleaved>} : vector<32xbf16> -> vector<16xf32>
      %unpack3A_329 = tpu.unpack_subelements %get3A_325, 1 {pack_format = #tpu.pack_format<interleaved>} : vector<32xbf16> -> vector<16xf32>
      %mul3A_330 = arith.mulf %unpack3A_326, %unpack3A_328 : vector<16xf32>
      %mul3A_331 = arith.mulf %unpack3A_327, %unpack3A_329 : vector<16xf32>
      %add3A_332 = arith.addf %mul3A_330, %mul3A_331 : vector<16xf32>
      %add3A_333 = arith.constant 1 : i32
      %add3A_334 = vector.broadcast %add3A_333 : i32 to vector<16xi32>
      %add3A_335 = arith.addi %mul3A_291, %add3A_334 : vector<16xi32>
      tpu.vector_store_idx %arg16[%add3A_335], %add3A_332 : memref<256xf32, #tpu.memory_space<vmem>>[vector<16xi32>], vector<16xf32>,
      %add3A_336 = arith.constant 2 : i32
      %add3A_337 = arith.addi %mul3A_301, %add3A_336 : i32
      %get3A_338 = arith.index_cast %add3A_337 : i32 to index
      %get3A_339 = arith.constant 0 : index
      %get3A_340 = tpu.vector_load %arg11[%get3A_338, %get3A_339] {strides = array<i32>} : memref<512x32xbf16, #tpu.memory_space<vmem>>, vector<32xbf16>,
      %get3A_341 = arith.index_cast %add3A_337 : i32 to index
      %get3A_342 = arith.constant 0 : index
      %get3A_343 = tpu.vector_load %arg12[%get3A_341, %get3A_342] {strides = array<i32>} : memref<512x32xbf16, #tpu.memory_space<vmem>>, vector<32xbf16>,
      %unpack3A_344 = tpu.unpack_subelements %get3A_340, 0 {pack_format = #tpu.pack_format<interleaved>} : vector<32xbf16> -> vector<16xf32>
      %unpack3A_345 = tpu.unpack_subelements %get3A_340, 1 {pack_format = #tpu.pack_format<interleaved>} : vector<32xbf16> -> vector<16xf32>
      %unpack3A_346 = tpu.unpack_subelements %get3A_343, 0 {pack_format = #tpu.pack_format<interleaved>} : vector<32xbf16> -> vector<16xf32>
      %unpack3A_347 = tpu.unpack_subelements %get3A_343, 1 {pack_format = #tpu.pack_format<interleaved>} : vector<32xbf16> -> vector<16xf32>
      %mul3A_348 = arith.mulf %unpack3A_344, %unpack3A_346 : vector<16xf32>
      %mul3A_349 = arith.mulf %unpack3A_345, %unpack3A_347 : vector<16xf32>
      %add3A_350 = arith.addf %mul3A_348, %mul3A_349 : vector<16xf32>
      %add3A_351 = arith.constant 2 : i32
      %add3A_352 = vector.broadcast %add3A_351 : i32 to vector<16xi32>
      %add3A_353 = arith.addi %mul3A_291, %add3A_352 : vector<16xi32>
      tpu.vector_store_idx %arg16[%add3A_353], %add3A_350 : memref<256xf32, #tpu.memory_space<vmem>>[vector<16xi32>], vector<16xf32>,
      %add3A_354 = arith.constant 3 : i32
      %add3A_355 = arith.addi %mul3A_301, %add3A_354 : i32
      %get3A_356 = arith.index_cast %add3A_355 : i32 to index
      %get3A_357 = arith.constant 0 : index
      %get3A_358 = tpu.vector_load %arg11[%get3A_356, %get3A_357] {strides = array<i32>} : memref<512x32xbf16, #tpu.memory_space<vmem>>, vector<32xbf16>,
      %get3A_359 = arith.index_cast %add3A_355 : i32 to index
      %get3A_360 = arith.constant 0 : index
      %get3A_361 = tpu.vector_load %arg12[%get3A_359, %get3A_360] {strides = array<i32>} : memref<512x32xbf16, #tpu.memory_space<vmem>>, vector<32xbf16>,
      %unpack3A_362 = tpu.unpack_subelements %get3A_358, 0 {pack_format = #tpu.pack_format<interleaved>} : vector<32xbf16> -> vector<16xf32>
      %unpack3A_363 = tpu.unpack_subelements %get3A_358, 1 {pack_format = #tpu.pack_format<interleaved>} : vector<32xbf16> -> vector<16xf32>
      %unpack3A_364 = tpu.unpack_subelements %get3A_361, 0 {pack_format = #tpu.pack_format<interleaved>} : vector<32xbf16> -> vector<16xf32>
      %unpack3A_365 = tpu.unpack_subelements %get3A_361, 1 {pack_format = #tpu.pack_format<interleaved>} : vector<32xbf16> -> vector<16xf32>
      %mul3A_366 = arith.mulf %unpack3A_362, %unpack3A_364 : vector<16xf32>
      %mul3A_367 = arith.mulf %unpack3A_363, %unpack3A_365 : vector<16xf32>
      %add3A_368 = arith.addf %mul3A_366, %mul3A_367 : vector<16xf32>
      %add3A_369 = arith.constant 3 : i32
      %add3A_370 = vector.broadcast %add3A_369 : i32 to vector<16xi32>
      %add3A_371 = arith.addi %mul3A_291, %add3A_370 : vector<16xi32>
      tpu.vector_store_idx %arg16[%add3A_371], %add3A_368 : memref<256xf32, #tpu.memory_space<vmem>>[vector<16xi32>], vector<16xf32>,
      %add3A_372 = arith.constant 4 : i32
      %add3A_373 = arith.addi %mul3A_301, %add3A_372 : i32
      %get3A_374 = arith.index_cast %add3A_373 : i32 to index
      %get3A_375 = arith.constant 0 : index
      %get3A_376 = tpu.vector_load %arg11[%get3A_374, %get3A_375] {strides = array<i32>} : memref<512x32xbf16, #tpu.memory_space<vmem>>, vector<32xbf16>,
      %get3A_377 = arith.index_cast %add3A_373 : i32 to index
      %get3A_378 = arith.constant 0 : index
      %get3A_379 = tpu.vector_load %arg12[%get3A_377, %get3A_378] {strides = array<i32>} : memref<512x32xbf16, #tpu.memory_space<vmem>>, vector<32xbf16>,
      %unpack3A_380 = tpu.unpack_subelements %get3A_376, 0 {pack_format = #tpu.pack_format<interleaved>} : vector<32xbf16> -> vector<16xf32>
      %unpack3A_381 = tpu.unpack_subelements %get3A_376, 1 {pack_format = #tpu.pack_format<interleaved>} : vector<32xbf16> -> vector<16xf32>
      %unpack3A_382 = tpu.unpack_subelements %get3A_379, 0 {pack_format = #tpu.pack_format<interleaved>} : vector<32xbf16> -> vector<16xf32>
      %unpack3A_383 = tpu.unpack_subelements %get3A_379, 1 {pack_format = #tpu.pack_format<interleaved>} : vector<32xbf16> -> vector<16xf32>
      %mul3A_384 = arith.mulf %unpack3A_380, %unpack3A_382 : vector<16xf32>
      %mul3A_385 = arith.mulf %unpack3A_381, %unpack3A_383 : vector<16xf32>
      %add3A_386 = arith.addf %mul3A_384, %mul3A_385 : vector<16xf32>
      %add3A_387 = arith.constant 4 : i32
      %add3A_388 = vector.broadcast %add3A_387 : i32 to vector<16xi32>
      %add3A_389 = arith.addi %mul3A_291, %add3A_388 : vector<16xi32>
      tpu.vector_store_idx %arg16[%add3A_389], %add3A_386 : memref<256xf32, #tpu.memory_space<vmem>>[vector<16xi32>], vector<16xf32>,
      %add3A_390 = arith.constant 5 : i32
      %add3A_391 = arith.addi %mul3A_301, %add3A_390 : i32
      %get3A_392 = arith.index_cast %add3A_391 : i32 to index
      %get3A_393 = arith.constant 0 : index
      %get3A_394 = tpu.vector_load %arg11[%get3A_392, %get3A_393] {strides = array<i32>} : memref<512x32xbf16, #tpu.memory_space<vmem>>, vector<32xbf16>,
      %get3A_395 = arith.index_cast %add3A_391 : i32 to index
      %get3A_396 = arith.constant 0 : index
      %get3A_397 = tpu.vector_load %arg12[%get3A_395, %get3A_396] {strides = array<i32>} : memref<512x32xbf16, #tpu.memory_space<vmem>>, vector<32xbf16>,
      %unpack3A_398 = tpu.unpack_subelements %get3A_394, 0 {pack_format = #tpu.pack_format<interleaved>} : vector<32xbf16> -> vector<16xf32>
      %unpack3A_399 = tpu.unpack_subelements %get3A_394, 1 {pack_format = #tpu.pack_format<interleaved>} : vector<32xbf16> -> vector<16xf32>
      %unpack3A_400 = tpu.unpack_subelements %get3A_397, 0 {pack_format = #tpu.pack_format<interleaved>} : vector<32xbf16> -> vector<16xf32>
      %unpack3A_401 = tpu.unpack_subelements %get3A_397, 1 {pack_format = #tpu.pack_format<interleaved>} : vector<32xbf16> -> vector<16xf32>
      %mul3A_402 = arith.mulf %unpack3A_398, %unpack3A_400 : vector<16xf32>
      %mul3A_403 = arith.mulf %unpack3A_399, %unpack3A_401 : vector<16xf32>
      %add3A_404 = arith.addf %mul3A_402, %mul3A_403 : vector<16xf32>
      %add3A_405 = arith.constant 5 : i32
      %add3A_406 = vector.broadcast %add3A_405 : i32 to vector<16xi32>
      %add3A_407 = arith.addi %mul3A_291, %add3A_406 : vector<16xi32>
      tpu.vector_store_idx %arg16[%add3A_407], %add3A_404 : memref<256xf32, #tpu.memory_space<vmem>>[vector<16xi32>], vector<16xf32>,
      %add3A_408 = arith.constant 6 : i32
      %add3A_409 = arith.addi %mul3A_301, %add3A_408 : i32
      %get3A_410 = arith.index_cast %add3A_409 : i32 to index
      %get3A_411 = arith.constant 0 : index
      %get3A_412 = tpu.vector_load %arg11[%get3A_410, %get3A_411] {strides = array<i32>} : memref<512x32xbf16, #tpu.memory_space<vmem>>, vector<32xbf16>,
      %get3A_413 = arith.index_cast %add3A_409 : i32 to index
      %get3A_414 = arith.constant 0 : index
      %get3A_415 = tpu.vector_load %arg12[%get3A_413, %get3A_414] {strides = array<i32>} : memref<512x32xbf16, #tpu.memory_space<vmem>>, vector<32xbf16>,
      %unpack3A_416 = tpu.unpack_subelements %get3A_412, 0 {pack_format = #tpu.pack_format<interleaved>} : vector<32xbf16> -> vector<16xf32>
      %unpack3A_417 = tpu.unpack_subelements %get3A_412, 1 {pack_format = #tpu.pack_format<interleaved>} : vector<32xbf16> -> vector<16xf32>
      %unpack3A_418 = tpu.unpack_subelements %get3A_415, 0 {pack_format = #tpu.pack_format<interleaved>} : vector<32xbf16> -> vector<16xf32>
      %unpack3A_419 = tpu.unpack_subelements %get3A_415, 1 {pack_format = #tpu.pack_format<interleaved>} : vector<32xbf16> -> vector<16xf32>
      %mul3A_420 = arith.mulf %unpack3A_416, %unpack3A_418 : vector<16xf32>
      %mul3A_421 = arith.mulf %unpack3A_417, %unpack3A_419 : vector<16xf32>
      %add3A_422 = arith.addf %mul3A_420, %mul3A_421 : vector<16xf32>
      %add3A_423 = arith.constant 6 : i32
      %add3A_424 = vector.broadcast %add3A_423 : i32 to vector<16xi32>
      %add3A_425 = arith.addi %mul3A_291, %add3A_424 : vector<16xi32>
      tpu.vector_store_idx %arg16[%add3A_425], %add3A_422 : memref<256xf32, #tpu.memory_space<vmem>>[vector<16xi32>], vector<16xf32>,
      %add3A_426 = arith.constant 7 : i32
      %add3A_427 = arith.addi %mul3A_301, %add3A_426 : i32
      %get3A_428 = arith.index_cast %add3A_427 : i32 to index
      %get3A_429 = arith.constant 0 : index
      %get3A_430 = tpu.vector_load %arg11[%get3A_428, %get3A_429] {strides = array<i32>} : memref<512x32xbf16, #tpu.memory_space<vmem>>, vector<32xbf16>,
      %get3A_431 = arith.index_cast %add3A_427 : i32 to index
      %get3A_432 = arith.constant 0 : index
      %get3A_433 = tpu.vector_load %arg12[%get3A_431, %get3A_432] {strides = array<i32>} : memref<512x32xbf16, #tpu.memory_space<vmem>>, vector<32xbf16>,
      %unpack3A_434 = tpu.unpack_subelements %get3A_430, 0 {pack_format = #tpu.pack_format<interleaved>} : vector<32xbf16> -> vector<16xf32>
      %unpack3A_435 = tpu.unpack_subelements %get3A_430, 1 {pack_format = #tpu.pack_format<interleaved>} : vector<32xbf16> -> vector<16xf32>
      %unpack3A_436 = tpu.unpack_subelements %get3A_433, 0 {pack_format = #tpu.pack_format<interleaved>} : vector<32xbf16> -> vector<16xf32>
      %unpack3A_437 = tpu.unpack_subelements %get3A_433, 1 {pack_format = #tpu.pack_format<interleaved>} : vector<32xbf16> -> vector<16xf32>
      %mul3A_438 = arith.mulf %unpack3A_434, %unpack3A_436 : vector<16xf32>
      %mul3A_439 = arith.mulf %unpack3A_435, %unpack3A_437 : vector<16xf32>
      %add3A_440 = arith.addf %mul3A_438, %mul3A_439 : vector<16xf32>
      %add3A_441 = arith.constant 7 : i32
      %add3A_442 = vector.broadcast %add3A_441 : i32 to vector<16xi32>
      %add3A_443 = arith.addi %mul3A_291, %add3A_442 : vector<16xi32>
      tpu.vector_store_idx %arg16[%add3A_443], %add3A_440 : memref<256xf32, #tpu.memory_space<vmem>>[vector<16xi32>], vector<16xf32>,
      %add3A_444 = arith.constant 8 : i32
      %add3A_445 = arith.addi %mul3A_301, %add3A_444 : i32
      %get3A_446 = arith.index_cast %add3A_445 : i32 to index
      %get3A_447 = arith.constant 0 : index
      %get3A_448 = tpu.vector_load %arg11[%get3A_446, %get3A_447] {strides = array<i32>} : memref<512x32xbf16, #tpu.memory_space<vmem>>, vector<32xbf16>,
      %get3A_449 = arith.index_cast %add3A_445 : i32 to index
      %get3A_450 = arith.constant 0 : index
      %get3A_451 = tpu.vector_load %arg12[%get3A_449, %get3A_450] {strides = array<i32>} : memref<512x32xbf16, #tpu.memory_space<vmem>>, vector<32xbf16>,
      %unpack3A_452 = tpu.unpack_subelements %get3A_448, 0 {pack_format = #tpu.pack_format<interleaved>} : vector<32xbf16> -> vector<16xf32>
      %unpack3A_453 = tpu.unpack_subelements %get3A_448, 1 {pack_format = #tpu.pack_format<interleaved>} : vector<32xbf16> -> vector<16xf32>
      %unpack3A_454 = tpu.unpack_subelements %get3A_451, 0 {pack_format = #tpu.pack_format<interleaved>} : vector<32xbf16> -> vector<16xf32>
      %unpack3A_455 = tpu.unpack_subelements %get3A_451, 1 {pack_format = #tpu.pack_format<interleaved>} : vector<32xbf16> -> vector<16xf32>
      %mul3A_456 = arith.mulf %unpack3A_452, %unpack3A_454 : vector<16xf32>
      %mul3A_457 = arith.mulf %unpack3A_453, %unpack3A_455 : vector<16xf32>
      %add3A_458 = arith.addf %mul3A_456, %mul3A_457 : vector<16xf32>
      %add3A_459 = arith.constant 8 : i32
      %add3A_460 = vector.broadcast %add3A_459 : i32 to vector<16xi32>
      %add3A_461 = arith.addi %mul3A_291, %add3A_460 : vector<16xi32>
      tpu.vector_store_idx %arg16[%add3A_461], %add3A_458 : memref<256xf32, #tpu.memory_space<vmem>>[vector<16xi32>], vector<16xf32>,
      %add3A_462 = arith.constant 9 : i32
      %add3A_463 = arith.addi %mul3A_301, %add3A_462 : i32
      %get3A_464 = arith.index_cast %add3A_463 : i32 to index
      %get3A_465 = arith.constant 0 : index
      %get3A_466 = tpu.vector_load %arg11[%get3A_464, %get3A_465] {strides = array<i32>} : memref<512x32xbf16, #tpu.memory_space<vmem>>, vector<32xbf16>,
      %get3A_467 = arith.index_cast %add3A_463 : i32 to index
      %get3A_468 = arith.constant 0 : index
      %get3A_469 = tpu.vector_load %arg12[%get3A_467, %get3A_468] {strides = array<i32>} : memref<512x32xbf16, #tpu.memory_space<vmem>>, vector<32xbf16>,
      %unpack3A_470 = tpu.unpack_subelements %get3A_466, 0 {pack_format = #tpu.pack_format<interleaved>} : vector<32xbf16> -> vector<16xf32>
      %unpack3A_471 = tpu.unpack_subelements %get3A_466, 1 {pack_format = #tpu.pack_format<interleaved>} : vector<32xbf16> -> vector<16xf32>
      %unpack3A_472 = tpu.unpack_subelements %get3A_469, 0 {pack_format = #tpu.pack_format<interleaved>} : vector<32xbf16> -> vector<16xf32>
      %unpack3A_473 = tpu.unpack_subelements %get3A_469, 1 {pack_format = #tpu.pack_format<interleaved>} : vector<32xbf16> -> vector<16xf32>
      %mul3A_474 = arith.mulf %unpack3A_470, %unpack3A_472 : vector<16xf32>
      %mul3A_475 = arith.mulf %unpack3A_471, %unpack3A_473 : vector<16xf32>
      %add3A_476 = arith.addf %mul3A_474, %mul3A_475 : vector<16xf32>
      %add3A_477 = arith.constant 9 : i32
      %add3A_478 = vector.broadcast %add3A_477 : i32 to vector<16xi32>
      %add3A_479 = arith.addi %mul3A_291, %add3A_478 : vector<16xi32>
      tpu.vector_store_idx %arg16[%add3A_479], %add3A_476 : memref<256xf32, #tpu.memory_space<vmem>>[vector<16xi32>], vector<16xf32>,
      %add3A_480 = arith.constant 10 : i32
      %add3A_481 = arith.addi %mul3A_301, %add3A_480 : i32
      %get3A_482 = arith.index_cast %add3A_481 : i32 to index
      %get3A_483 = arith.constant 0 : index
      %get3A_484 = tpu.vector_load %arg11[%get3A_482, %get3A_483] {strides = array<i32>} : memref<512x32xbf16, #tpu.memory_space<vmem>>, vector<32xbf16>,
      %get3A_485 = arith.index_cast %add3A_481 : i32 to index
      %get3A_486 = arith.constant 0 : index
      %get3A_487 = tpu.vector_load %arg12[%get3A_485, %get3A_486] {strides = array<i32>} : memref<512x32xbf16, #tpu.memory_space<vmem>>, vector<32xbf16>,
      %unpack3A_488 = tpu.unpack_subelements %get3A_484, 0 {pack_format = #tpu.pack_format<interleaved>} : vector<32xbf16> -> vector<16xf32>
      %unpack3A_489 = tpu.unpack_subelements %get3A_484, 1 {pack_format = #tpu.pack_format<interleaved>} : vector<32xbf16> -> vector<16xf32>
      %unpack3A_490 = tpu.unpack_subelements %get3A_487, 0 {pack_format = #tpu.pack_format<interleaved>} : vector<32xbf16> -> vector<16xf32>
      %unpack3A_491 = tpu.unpack_subelements %get3A_487, 1 {pack_format = #tpu.pack_format<interleaved>} : vector<32xbf16> -> vector<16xf32>
      %mul3A_492 = arith.mulf %unpack3A_488, %unpack3A_490 : vector<16xf32>
      %mul3A_493 = arith.mulf %unpack3A_489, %unpack3A_491 : vector<16xf32>
      %add3A_494 = arith.addf %mul3A_492, %mul3A_493 : vector<16xf32>
      %add3A_495 = arith.constant 10 : i32
      %add3A_496 = vector.broadcast %add3A_495 : i32 to vector<16xi32>
      %add3A_497 = arith.addi %mul3A_291, %add3A_496 : vector<16xi32>
      tpu.vector_store_idx %arg16[%add3A_497], %add3A_494 : memref<256xf32, #tpu.memory_space<vmem>>[vector<16xi32>], vector<16xf32>,
      %add3A_498 = arith.constant 11 : i32
      %add3A_499 = arith.addi %mul3A_301, %add3A_498 : i32
      %get3A_500 = arith.index_cast %add3A_499 : i32 to index
      %get3A_501 = arith.constant 0 : index
      %get3A_502 = tpu.vector_load %arg11[%get3A_500, %get3A_501] {strides = array<i32>} : memref<512x32xbf16, #tpu.memory_space<vmem>>, vector<32xbf16>,
      %get3A_503 = arith.index_cast %add3A_499 : i32 to index
      %get3A_504 = arith.constant 0 : index
      %get3A_505 = tpu.vector_load %arg12[%get3A_503, %get3A_504] {strides = array<i32>} : memref<512x32xbf16, #tpu.memory_space<vmem>>, vector<32xbf16>,
      %unpack3A_506 = tpu.unpack_subelements %get3A_502, 0 {pack_format = #tpu.pack_format<interleaved>} : vector<32xbf16> -> vector<16xf32>
      %unpack3A_507 = tpu.unpack_subelements %get3A_502, 1 {pack_format = #tpu.pack_format<interleaved>} : vector<32xbf16> -> vector<16xf32>
      %unpack3A_508 = tpu.unpack_subelements %get3A_505, 0 {pack_format = #tpu.pack_format<interleaved>} : vector<32xbf16> -> vector<16xf32>
      %unpack3A_509 = tpu.unpack_subelements %get3A_505, 1 {pack_format = #tpu.pack_format<interleaved>} : vector<32xbf16> -> vector<16xf32>
      %mul3A_510 = arith.mulf %unpack3A_506, %unpack3A_508 : vector<16xf32>
      %mul3A_511 = arith.mulf %unpack3A_507, %unpack3A_509 : vector<16xf32>
      %add3A_512 = arith.addf %mul3A_510, %mul3A_511 : vector<16xf32>
      %add3A_513 = arith.constant 11 : i32
      %add3A_514 = vector.broadcast %add3A_513 : i32 to vector<16xi32>
      %add3A_515 = arith.addi %mul3A_291, %add3A_514 : vector<16xi32>
      tpu.vector_store_idx %arg16[%add3A_515], %add3A_512 : memref<256xf32, #tpu.memory_space<vmem>>[vector<16xi32>], vector<16xf32>,
      %add3A_516 = arith.constant 12 : i32
      %add3A_517 = arith.addi %mul3A_301, %add3A_516 : i32
      %get3A_518 = arith.index_cast %add3A_517 : i32 to index
      %get3A_519 = arith.constant 0 : index
      %get3A_520 = tpu.vector_load %arg11[%get3A_518, %get3A_519] {strides = array<i32>} : memref<512x32xbf16, #tpu.memory_space<vmem>>, vector<32xbf16>,
      %get3A_521 = arith.index_cast %add3A_517 : i32 to index
      %get3A_522 = arith.constant 0 : index
      %get3A_523 = tpu.vector_load %arg12[%get3A_521, %get3A_522] {strides = array<i32>} : memref<512x32xbf16, #tpu.memory_space<vmem>>, vector<32xbf16>,
      %unpack3A_524 = tpu.unpack_subelements %get3A_520, 0 {pack_format = #tpu.pack_format<interleaved>} : vector<32xbf16> -> vector<16xf32>
      %unpack3A_525 = tpu.unpack_subelements %get3A_520, 1 {pack_format = #tpu.pack_format<interleaved>} : vector<32xbf16> -> vector<16xf32>
      %unpack3A_526 = tpu.unpack_subelements %get3A_523, 0 {pack_format = #tpu.pack_format<interleaved>} : vector<32xbf16> -> vector<16xf32>
      %unpack3A_527 = tpu.unpack_subelements %get3A_523, 1 {pack_format = #tpu.pack_format<interleaved>} : vector<32xbf16> -> vector<16xf32>
      %mul3A_528 = arith.mulf %unpack3A_524, %unpack3A_526 : vector<16xf32>
      %mul3A_529 = arith.mulf %unpack3A_525, %unpack3A_527 : vector<16xf32>
      %add3A_530 = arith.addf %mul3A_528, %mul3A_529 : vector<16xf32>
      %add3A_531 = arith.constant 12 : i32
      %add3A_532 = vector.broadcast %add3A_531 : i32 to vector<16xi32>
      %add3A_533 = arith.addi %mul3A_291, %add3A_532 : vector<16xi32>
      tpu.vector_store_idx %arg16[%add3A_533], %add3A_530 : memref<256xf32, #tpu.memory_space<vmem>>[vector<16xi32>], vector<16xf32>,
      %add3A_534 = arith.constant 13 : i32
      %add3A_535 = arith.addi %mul3A_301, %add3A_534 : i32
      %get3A_536 = arith.index_cast %add3A_535 : i32 to index
      %get3A_537 = arith.constant 0 : index
      %get3A_538 = tpu.vector_load %arg11[%get3A_536, %get3A_537] {strides = array<i32>} : memref<512x32xbf16, #tpu.memory_space<vmem>>, vector<32xbf16>,
      %get3A_539 = arith.index_cast %add3A_535 : i32 to index
      %get3A_540 = arith.constant 0 : index
      %get3A_541 = tpu.vector_load %arg12[%get3A_539, %get3A_540] {strides = array<i32>} : memref<512x32xbf16, #tpu.memory_space<vmem>>, vector<32xbf16>,
      %unpack3A_542 = tpu.unpack_subelements %get3A_538, 0 {pack_format = #tpu.pack_format<interleaved>} : vector<32xbf16> -> vector<16xf32>
      %unpack3A_543 = tpu.unpack_subelements %get3A_538, 1 {pack_format = #tpu.pack_format<interleaved>} : vector<32xbf16> -> vector<16xf32>
      %unpack3A_544 = tpu.unpack_subelements %get3A_541, 0 {pack_format = #tpu.pack_format<interleaved>} : vector<32xbf16> -> vector<16xf32>
      %unpack3A_545 = tpu.unpack_subelements %get3A_541, 1 {pack_format = #tpu.pack_format<interleaved>} : vector<32xbf16> -> vector<16xf32>
      %mul3A_546 = arith.mulf %unpack3A_542, %unpack3A_544 : vector<16xf32>
      %mul3A_547 = arith.mulf %unpack3A_543, %unpack3A_545 : vector<16xf32>
      %add3A_548 = arith.addf %mul3A_546, %mul3A_547 : vector<16xf32>
      %add3A_549 = arith.constant 13 : i32
      %add3A_550 = vector.broadcast %add3A_549 : i32 to vector<16xi32>
      %add3A_551 = arith.addi %mul3A_291, %add3A_550 : vector<16xi32>
      tpu.vector_store_idx %arg16[%add3A_551], %add3A_548 : memref<256xf32, #tpu.memory_space<vmem>>[vector<16xi32>], vector<16xf32>,
      %add3A_552 = arith.constant 14 : i32
      %add3A_553 = arith.addi %mul3A_301, %add3A_552 : i32
      %get3A_554 = arith.index_cast %add3A_553 : i32 to index
      %get3A_555 = arith.constant 0 : index
      %get3A_556 = tpu.vector_load %arg11[%get3A_554, %get3A_555] {strides = array<i32>} : memref<512x32xbf16, #tpu.memory_space<vmem>>, vector<32xbf16>,
      %get3A_557 = arith.index_cast %add3A_553 : i32 to index
      %get3A_558 = arith.constant 0 : index
      %get3A_559 = tpu.vector_load %arg12[%get3A_557, %get3A_558] {strides = array<i32>} : memref<512x32xbf16, #tpu.memory_space<vmem>>, vector<32xbf16>,
      %unpack3A_560 = tpu.unpack_subelements %get3A_556, 0 {pack_format = #tpu.pack_format<interleaved>} : vector<32xbf16> -> vector<16xf32>
      %unpack3A_561 = tpu.unpack_subelements %get3A_556, 1 {pack_format = #tpu.pack_format<interleaved>} : vector<32xbf16> -> vector<16xf32>
      %unpack3A_562 = tpu.unpack_subelements %get3A_559, 0 {pack_format = #tpu.pack_format<interleaved>} : vector<32xbf16> -> vector<16xf32>
      %unpack3A_563 = tpu.unpack_subelements %get3A_559, 1 {pack_format = #tpu.pack_format<interleaved>} : vector<32xbf16> -> vector<16xf32>
      %mul3A_564 = arith.mulf %unpack3A_560, %unpack3A_562 : vector<16xf32>
      %mul3A_565 = arith.mulf %unpack3A_561, %unpack3A_563 : vector<16xf32>
      %add3A_566 = arith.addf %mul3A_564, %mul3A_565 : vector<16xf32>
      %add3A_567 = arith.constant 14 : i32
      %add3A_568 = vector.broadcast %add3A_567 : i32 to vector<16xi32>
      %add3A_569 = arith.addi %mul3A_291, %add3A_568 : vector<16xi32>
      tpu.vector_store_idx %arg16[%add3A_569], %add3A_566 : memref<256xf32, #tpu.memory_space<vmem>>[vector<16xi32>], vector<16xf32>,
      %add3A_570 = arith.constant 15 : i32
      %add3A_571 = arith.addi %mul3A_301, %add3A_570 : i32
      %get3A_572 = arith.index_cast %add3A_571 : i32 to index
      %get3A_573 = arith.constant 0 : index
      %get3A_574 = tpu.vector_load %arg11[%get3A_572, %get3A_573] {strides = array<i32>} : memref<512x32xbf16, #tpu.memory_space<vmem>>, vector<32xbf16>,
      %get3A_575 = arith.index_cast %add3A_571 : i32 to index
      %get3A_576 = arith.constant 0 : index
      %get3A_577 = tpu.vector_load %arg12[%get3A_575, %get3A_576] {strides = array<i32>} : memref<512x32xbf16, #tpu.memory_space<vmem>>, vector<32xbf16>,
      %unpack3A_578 = tpu.unpack_subelements %get3A_574, 0 {pack_format = #tpu.pack_format<interleaved>} : vector<32xbf16> -> vector<16xf32>
      %unpack3A_579 = tpu.unpack_subelements %get3A_574, 1 {pack_format = #tpu.pack_format<interleaved>} : vector<32xbf16> -> vector<16xf32>
      %unpack3A_580 = tpu.unpack_subelements %get3A_577, 0 {pack_format = #tpu.pack_format<interleaved>} : vector<32xbf16> -> vector<16xf32>
      %unpack3A_581 = tpu.unpack_subelements %get3A_577, 1 {pack_format = #tpu.pack_format<interleaved>} : vector<32xbf16> -> vector<16xf32>
      %mul3A_582 = arith.mulf %unpack3A_578, %unpack3A_580 : vector<16xf32>
      %mul3A_583 = arith.mulf %unpack3A_579, %unpack3A_581 : vector<16xf32>
      %add3A_584 = arith.addf %mul3A_582, %mul3A_583 : vector<16xf32>
      %add3A_585 = arith.constant 15 : i32
      %add3A_586 = vector.broadcast %add3A_585 : i32 to vector<16xi32>
      %add3A_587 = arith.addi %mul3A_291, %add3A_586 : vector<16xi32>
      tpu.vector_store_idx %arg16[%add3A_587], %add3A_584 : memref<256xf32, #tpu.memory_space<vmem>>[vector<16xi32>], vector<16xf32>,
      %get3A_588 = arith.index_cast %mul3A_301 : i32 to index
      %get3A_589 = tpu.vector_load %arg13[%get3A_588] {strides = array<i32>} : memref<512xf32, #tpu.memory_space<vmem>>, vector<16xf32>,
      %get3A_590 = arith.index_cast %mul3A_301 : i32 to index
      %get3A_591 = tpu.vector_load %arg14[%get3A_590] {strides = array<i32>} : memref<512xf32, #tpu.memory_space<vmem>>, vector<16xf32>,
      %add3A_592 = arith.addf %get3A_589, %get3A_591 : vector<16xf32>
      %get3A_593 = arith.constant 0 : index
      %get3A_594 = tpu.vector_load %arg16[%get3A_593] {strides = array<i32>} : memref<256xf32, #tpu.memory_space<vmem>>, vector<16xf32>,
      %add3A_595 = arith.addf %add3A_592, %get3A_594 : vector<16xf32>
      %get3A_596 = arith.constant 16 : index
      %get3A_597 = tpu.vector_load %arg16[%get3A_596] {strides = array<i32>} : memref<256xf32, #tpu.memory_space<vmem>>, vector<16xf32>,
      %add3A_598 = arith.addf %add3A_595, %get3A_597 : vector<16xf32>
      %get3A_599 = arith.constant 32 : index
      %get3A_600 = tpu.vector_load %arg16[%get3A_599] {strides = array<i32>} : memref<256xf32, #tpu.memory_space<vmem>>, vector<16xf32>,
      %add3A_601 = arith.addf %add3A_598, %get3A_600 : vector<16xf32>
      %get3A_602 = arith.constant 48 : index
      %get3A_603 = tpu.vector_load %arg16[%get3A_602] {strides = array<i32>} : memref<256xf32, #tpu.memory_space<vmem>>, vector<16xf32>,
      %add3A_604 = arith.addf %add3A_601, %get3A_603 : vector<16xf32>
      %get3A_605 = arith.constant 64 : index
      %get3A_606 = tpu.vector_load %arg16[%get3A_605] {strides = array<i32>} : memref<256xf32, #tpu.memory_space<vmem>>, vector<16xf32>,
      %add3A_607 = arith.addf %add3A_604, %get3A_606 : vector<16xf32>
      %get3A_608 = arith.constant 80 : index
      %get3A_609 = tpu.vector_load %arg16[%get3A_608] {strides = array<i32>} : memref<256xf32, #tpu.memory_space<vmem>>, vector<16xf32>,
      %add3A_610 = arith.addf %add3A_607, %get3A_609 : vector<16xf32>
      %get3A_611 = arith.constant 96 : index
      %get3A_612 = tpu.vector_load %arg16[%get3A_611] {strides = array<i32>} : memref<256xf32, #tpu.memory_space<vmem>>, vector<16xf32>,
      %add3A_613 = arith.addf %add3A_610, %get3A_612 : vector<16xf32>
      %get3A_614 = arith.constant 112 : index
      %get3A_615 = tpu.vector_load %arg16[%get3A_614] {strides = array<i32>} : memref<256xf32, #tpu.memory_space<vmem>>, vector<16xf32>,
      %add3A_616 = arith.addf %add3A_613, %get3A_615 : vector<16xf32>
      %get3A_617 = arith.constant 128 : index
      %get3A_618 = tpu.vector_load %arg16[%get3A_617] {strides = array<i32>} : memref<256xf32, #tpu.memory_space<vmem>>, vector<16xf32>,
      %add3A_619 = arith.addf %add3A_616, %get3A_618 : vector<16xf32>
      %get3A_620 = arith.constant 144 : index
      %get3A_621 = tpu.vector_load %arg16[%get3A_620] {strides = array<i32>} : memref<256xf32, #tpu.memory_space<vmem>>, vector<16xf32>,
      %add3A_622 = arith.addf %add3A_619, %get3A_621 : vector<16xf32>
      %get3A_623 = arith.constant 160 : index
      %get3A_624 = tpu.vector_load %arg16[%get3A_623] {strides = array<i32>} : memref<256xf32, #tpu.memory_space<vmem>>, vector<16xf32>,
      %add3A_625 = arith.addf %add3A_622, %get3A_624 : vector<16xf32>
      %get3A_626 = arith.constant 176 : index
      %get3A_627 = tpu.vector_load %arg16[%get3A_626] {strides = array<i32>} : memref<256xf32, #tpu.memory_space<vmem>>, vector<16xf32>,
      %add3A_628 = arith.addf %add3A_625, %get3A_627 : vector<16xf32>
      %get3A_629 = arith.constant 192 : index
      %get3A_630 = tpu.vector_load %arg16[%get3A_629] {strides = array<i32>} : memref<256xf32, #tpu.memory_space<vmem>>, vector<16xf32>,
      %add3A_631 = arith.addf %add3A_628, %get3A_630 : vector<16xf32>
      %get3A_632 = arith.constant 208 : index
      %get3A_633 = tpu.vector_load %arg16[%get3A_632] {strides = array<i32>} : memref<256xf32, #tpu.memory_space<vmem>>, vector<16xf32>,
      %add3A_634 = arith.addf %add3A_631, %get3A_633 : vector<16xf32>
      %get3A_635 = arith.constant 224 : index
      %get3A_636 = tpu.vector_load %arg16[%get3A_635] {strides = array<i32>} : memref<256xf32, #tpu.memory_space<vmem>>, vector<16xf32>,
      %add3A_637 = arith.addf %add3A_634, %get3A_636 : vector<16xf32>
      %get3A_638 = arith.constant 240 : index
      %get3A_639 = tpu.vector_load %arg16[%get3A_638] {strides = array<i32>} : memref<256xf32, #tpu.memory_space<vmem>>, vector<16xf32>,
      %add3A_640 = arith.addf %add3A_637, %get3A_639 : vector<16xf32>
      %swap3A = arith.index_cast %mul3A_301 : i32 to index
      %swap3A_641 = tpu.vector_load %arg15[%swap3A] {strides = array<i32>} : memref<512xf32, #tpu.memory_space<vmem>>, vector<16xf32>,
      tpu.vector_store %arg15[%swap3A], %add3A_640 {strides = array<i32>} : memref<512xf32, #tpu.memory_space<vmem>>, vector<16xf32>,
      %scan3A_642 = arith.constant 0 : i32
      scf.yield %scan3A_642 : i32
    }
    %scan3A_297 = arith.constant 32 : i32
    "tpu.region"() ({
      %run_scoped3A = tpu.sem_alloc : memref<!tpu.dma_semaphore, #tpu.memory_space<semaphore_mem>>
      %dma_start3A_298 = tpu.memref_slice %arg8[%mul3A_2] : memref<16384xf32, #tpu.memory_space<hbm>> -> memref<512xf32, #tpu.memory_space<hbm>>
      %dma_start3A_299 = tpu.memref_slice %arg8[%mul3A_2] : memref<16384xf32, #tpu.memory_space<hbm>> -> memref<512xf32, #tpu.memory_space<hbm>>
      tpu.enqueue_dma source(%arg15 : memref<512xf32, #tpu.memory_space<vmem>>) target(%dma_start3A_299 : memref<512xf32, #tpu.memory_space<hbm>>) target_semaphore(%run_scoped3A : memref<!tpu.dma_semaphore, #tpu.memory_space<semaphore_mem>>)
      %dma_wait3A_300 = tpu.memref_slice %arg8[%mul3A_2] : memref<16384xf32, #tpu.memory_space<hbm>> -> memref<512xf32, #tpu.memory_space<hbm>>
      %dma_wait3A_301 = tpu.memref_slice %arg8[%mul3A_2] : memref<16384xf32, #tpu.memory_space<hbm>> -> memref<512xf32, #tpu.memory_space<hbm>>
      tpu.wait_dma2 semaphore(%run_scoped3A : memref<!tpu.dma_semaphore, #tpu.memory_space<semaphore_mem>>) src(%arg15 : memref<512xf32, #tpu.memory_space<vmem>>) dst(%dma_wait3A_301 : memref<512xf32, #tpu.memory_space<hbm>>)
      tpu.yield
    }) : () -> ()
    return
  }
}

</mosaic_0001>

<sc_bundles>
// kernel: _gau_sc.3.cloned.1.call-start
scs
__scs_entry_jumppad:
0x0: {  	(pc) =	sbr.rel $0x88, $3  }
0x1: {  	(tag) =	ssettag $0x0;
	lr =	simm.s32 $0x1  }
0x2: {  	[smem:$0x3F9B] =	sst lr;
	_ =	strace $0xD0000000  }
0x3: {  	_ = 	snop  }
0x4: {  	_ = 	snop  }
0x5: {  	_ = 	snop  }
0x6: {  	_ = 	snop  }
0x7: {  	_ = 	snop  }
__scs_overlays_trampoline_lowered:
0x8: {  	[smem:$0x3FAA] =	sst s0  }
0x9: {  	[smem:$0x3FAB] =	sst s1  }
0xa: {  	[smem:$0x3FAC] =	sst s2  }
0xb: {  	[smem:$0x3FAD] =	sst s3  }
0xc: {  	[smem:$0x3FAE] =	sst s4  }
0xd: {  	[smem:$0x3FAF] =	sst s5  }
0xe: {  	[smem:$0x3FB0] =	sst s6  }
0xf: {  	[smem:$0x3FB1] =	sst s7  }
0x10: {  	[smem:$0x3FB2] =	sst s8  }
0x11: {  	[smem:$0x3FB3] =	sst s9;
	s0 =	simm.s32 @!p0 $0x0  }
0x12: {  	s1 =	sld [smem:$0x3F99];
	s0 =	simm.s32 @p0 $0x1  }
0x13: {  	[smem:$0x3FB4] =	sst s0;
	s0 =	simm.s32 @!p1 $0x0  }
0x14: {  	s2 =	sld [smem:$0x3F98];
	s0 =	simm.s32 @p1 $0x1  }
0x15: {  	[smem:$0x3FB5] =	sst s0;
	s0 =	simm.s32 @!p2 $0x0  }
0x16: {  	s3 =	sld [smem:$0x3FDB];
	s0 =	simm.s32 @p2 $0x1  }
0x17: {  	s4 =	simm.s32 $0x1BF5;
	[smem:$0x3FB7] =	sst s0  }
0x18: {  	s0 =	sld [smem:$0x3F9A];
	_ =	swait.ge [sflag:s4], $0x0  }
0x19: {  	s7 =	sld [smem:$0x3F9B]  }
0x1a: {  	s8 =	sadd.s32 $0xFFFFE003, lr  }
0x1b: {  	s9 =	sadd.s32 $0xFFFFFEF7, lr;
	s5 =	simm.s32 $0xFFFFFFFF;
	p2 =	slt.u32 s8, $0xFFFFF086  }
0x1c: {  	p1 =	slt.u32 s9, $0xF7A;
	s5 =	simm.s32 @!p2 $0x0  }
0x1d: {  	s5 =	simm.s32 @p1 $0x1;
	p0 =	seq.s32 s7, s2  }
0x1e: {  	s7 =	smul.u32 @!p0 $0xF7A, s2;
	p2 =	seq.s32 @!p0 s5, $0x0  }
0x1f: {  	s9 =	smul.u32 $0xF7A, s1;
	s8 =	simm.s32 @!p0 $0x1BF5;
	p2 =	por !p2, p0  }
0x20: {  	[sflag:s8] =	ssyncset.s32 @!p0 $0xFFFFF086;
	s6 =	sadd.s32 @!p0 s3, s7;
	s7 =	simm.s32 @!p0 $0x108  }
0x21: {  	s3 =	sadd.s32 s3, s9;
	s6 =	sadd.s32 @!p0 $0x88, s6;
	s7 =	simm.s32 @p2 $0x1082  }
0x22: {  	[simem:s7], [sflag:s8] =	dma.local @!p0 [hbm:s6], $0xF7A  }
0x23: {  	s9 =	sor.u32 $0xD0000000, s2;
	s6 =	simm.s32 $0x108;
	_ =	swait.ge @!p0 [sflag:s8], $0x0  }
0x24: {  	s3 =	sadd.s32 $0x88, s3;
	s6 =	simm.s32 @!p1 $0x1082;
	[sflag:s4] =	ssyncset.s32 $0xFFFFF086  }
0x25: {  	[simem:s6], [sflag:s4] =	dma.local [hbm:s3], $0xF7A  }
0x26: {  	[smem:$0x3F9B] =	sst s1;
	(tag) =	ssettag s2;
	_ =	strace s9  }
0x27: {  	s1 =	sld [smem:$0x3FAB]  }
0x28: {  	s2 =	sld [smem:$0x3FAC]  }
0x29: {  	s4 =	sld [smem:$0x3FAE]  }
0x2a: {  	p0 =	seq.s32 s5, $0x0;
	s5 =	sld [smem:$0x3FAF]  }
0x2b: {  	s6 =	sld [smem:$0x3FB0]  }
0x2c: {  	s7 =	sld [smem:$0x3FB1]  }
0x2d: {  	s3 =	simm.s32 $0x108;
	s8 =	sld [smem:$0x3FB2]  }
0x2e: {  	s3 =	simm.s32 @!p0 $0x1082;
	s9 =	sld [smem:$0x3FB3]  }
0x2f: {  	lr =	sadd.s32 s0, s3;
	s0 =	sld [smem:$0x3FAA]  }
0x30: {  	s3 =	sld [smem:$0x3FAD]  }
0x31: {  	[smem:$0x3FB6] =	sst s10  }
0x32: {  	s10 =	sld [smem:$0x3FB4];
	_ =	sdelay $0x3  }
0x33: {  	p0 =	seq.s32 s10, $0x1;
	s10 =	sld [smem:$0x3FB6];
	_ =	sdelay $0x3  }
0x34: {  	[smem:$0x3FB6] =	sst s10  }
0x35: {  	s10 =	sld [smem:$0x3FB5];
	_ =	sdelay $0x3  }
0x36: {  	p1 =	seq.s32 s10, $0x1;
	s10 =	sld [smem:$0x3FB6];
	_ =	sdelay $0x3  }
0x37: {  	[smem:$0x3FB6] =	sst s10  }
0x38: {  	s10 =	sld [smem:$0x3FB7]  }
0x39: {  	_ = 	snop;
	(pc) =	sbr.ind lr, $3  }
0x3a: {  	_ = 	snop  }
0x3b: {  	_ = 	snop  }
0x3c: {  	p2 =	seq.s32 s10, $0x1;
	s10 =	sld [smem:$0x3FB6]  }
0x3d: {  	_ =	shalt  }
0x3e: {  	_ =	shalt  }
0x3f: {  	_ =	shalt  }
0x40: {  	_ =	shalt  }
0x41: {  	_ =	shalt  }
0x42: {  	_ =	shalt  }
0x43: {  	_ =	shalt  }
0x44: {  	_ =	shalt  }
0x45: {  	_ =	shalt  }
0x46: {  	_ =	shalt  }
0x47: {  	_ =	shalt  }
0x48: {  	_ =	shalt  }
0x49: {  	_ =	shalt  }
0x4a: {  	_ =	shalt  }
0x4b: {  	_ =	shalt  }
0x4c: {  	_ =	shalt  }
0x4d: {  	_ =	shalt  }
0x4e: {  	_ =	shalt  }
0x4f: {  	_ =	shalt  }
0x50: {  	_ =	shalt  }
0x51: {  	_ =	shalt  }
0x52: {  	_ =	shalt  }
0x53: {  	_ =	shalt  }
0x54: {  	_ =	shalt  }
0x55: {  	_ =	shalt  }
0x56: {  	_ =	shalt  }
0x57: {  	_ =	shalt  }
0x58: {  	_ =	shalt  }
0x59: {  	_ =	shalt  }
0x5a: {  	_ =	shalt  }
0x5b: {  	_ =	shalt  }
0x5c: {  	_ =	shalt  }
0x5d: {  	_ =	shalt  }
0x5e: {  	_ =	shalt  }
0x5f: {  	_ =	shalt  }
0x60: {  	_ =	shalt  }
0x61: {  	_ =	shalt  }
0x62: {  	_ =	shalt  }
0x63: {  	_ =	shalt  }
0x64: {  	_ =	shalt  }
0x65: {  	_ =	shalt  }
0x66: {  	_ =	shalt  }
0x67: {  	_ =	shalt  }
0x68: {  	_ =	shalt  }
0x69: {  	_ =	shalt  }
0x6a: {  	_ =	shalt  }
0x6b: {  	_ =	shalt  }
0x6c: {  	_ =	shalt  }
0x6d: {  	_ =	shalt  }
0x6e: {  	_ =	shalt  }
0x6f: {  	_ =	shalt  }
0x70: {  	_ =	shalt  }
0x71: {  	_ =	shalt  }
0x72: {  	_ =	shalt  }
0x73: {  	_ =	shalt  }
0x74: {  	_ =	shalt  }
0x75: {  	_ =	shalt  }
0x76: {  	_ =	shalt  }
0x77: {  	_ =	shalt  }
0x78: {  	_ =	shalt  }
0x79: {  	_ =	shalt  }
0x7a: {  	_ =	shalt  }
0x7b: {  	_ =	shalt  }
0x7c: {  	_ =	shalt  }
0x7d: {  	_ =	shalt  }
0x7e: {  	_ =	shalt  }
0x7f: {  	_ =	shalt  }
0x80: {  	_ =	shalt  }
0x81: {  	_ =	shalt  }
0x82: {  	_ =	shalt  }
0x83: {  	_ =	shalt  }
0x84: {  	_ =	shalt  }
0x85: {  	_ =	shalt  }
0x86: {  	_ =	shalt  }
0x87: {  	_ =	shalt  }
.Lfunc_end0:
.L_simem_size_0:
called_computation.2_lowered:
.L_overlay_start_0:
0x88: {  	s2 =	sld [smem:$0x3FD9]  }
0x89: {  	s3 =	sld [smem:$0x3FFE];
	_ =	sdelay $0x1  }
0x8a: {  	s1 =	srdreg.scid  }
0x8b: {  	s0 =	sand.u32 $0x1, s1  }
0x8c: {  	s17 =	sshll.u32 s0, $0xA;
	s2 =	sadd.s32 s3, s2  }
0x8d: {  	s2 =	sadd.s32 s2, s17  }
0x8e: {  	[smem:$0x3FC2] =	sst s2  }
0x8f: {  	_ = 	snop  }
0x90: {  	s2 =	sld [smem:$0x3FC9]  }
0x91: {  	s18 =	sld [smem:$0x3FC8]  }
0x92: {  	s4 =	sld [smem:$0x3FC5]  }
0x93: {  	s5 =	sld [smem:$0x3FC4]  }
0x94: {  	s6 =	sld [smem:$0x3FD0];
	(tm) =	ssettm $0x1  }
0x95: {  	s7 =	sld [smem:$0x3FFB];
	_ =	sdelay $0x3  }
0x96: {  	_ =	strace s7  }
0x97: {  	s7 =	sld [smem:$0x3FFC];
	_ =	sdelay $0x3  }
0x98: {  	_ =	strace s7  }
0x99: {  	s7 =	sld [smem:$0x3FFD];
	_ =	sdelay $0x3  }
0x9a: {  	_ =	strace s7  }
0x9b: {  	_ =	strace $0x8FFFFFFF  }
0x9c: {  	s19 =	sld [smem:$0x3FDB];
	_ =	sdelay $0x1  }
0x9d: {  	s8 =	simm.s32 $_scs_section_size  }
0x9e: {  	s9 =	simm.s32 $_size__tile_overlayer_lowered;
	s10 =	simm.s32 $_tile_overlayer_lowered  }
0x9f: {  	s22 =	simm.s32 $0x1BFF;
	s21 =	sshll.u32 s10, $0x1;
	s7 =	sadd.s32 s8, s19  }
0xa0: {  	s11 =	simm.s32 $0x0;
	s20 =	sshll.u32 s9, $0x1;
	s9 =	sadd.s32 s21, s7  }
0xa1: {  	[timem:s11], [sflag:s22] =	dma.local [hbm:s9], s20  }
0xa2: {  	_ =	swait.ge [sflag:s22], s20  }
0xa3: {  	s8 =	ssub.s32 $0x0, s20;
	[sflag:s22] =	ssyncset.done $0x0  }
0xa4: {  	[sflag:s22] =	ssyncadd.s32 s8;
	_ =	sdelay $0x1  }
0xa5: {  	s23 =	simm.s32 $0x1B8B  }
0xa6: {  	_ =	swait.ge [sflag:s23], $0x1  }
0xa7: {  	[sflag:s23] =	ssyncset.done $0x0  }
0xa8: {  	s25 =	simm.s32 $0x1B8E;
	s24 =	sld [smem:$0x3FFE];
	[sflag:s23] =	ssyncadd.s32 $0xFFFFFFFF  }
0xa9: {  	s26 =	simm.s32 $execute0_lowered;
	[smem:$0x3FD2] =	sst s25  }
0xaa: {  	s9 =	sshll.u32 s26, $0x1;
	_ =	strace $0x8000004C;
	[dreg:$0x1] =	wrdreg $0xFFFFFFFF  }
0xab: {  	s28 =	simm.s32 $_size_execute0_lowered;
	s7 =	sadd.s32 s7, s9;
	[dreg:$0x0] =	wrdreg $0x0  }
0xac: {  	s9 =	sshll.u32 s28, $0x1;
	[dreg:$0x2] =	wrdreg s7  }
0xad: {  	[dreg:$0x3] =	wrdreg s9  }
0xae: {  	[dreg:$0x4] =	wrdreg $0xC0  }
0xaf: {  	_ =	task [dreg:s11], $0x5FFFF  }
0xb0: {  	[dreg:$0x1] =	wrdreg $0xFFFFFFFF  }
0xb1: {  	[dreg:$0x0] =	wrdreg $0x60  }
0xb2: {  	[dreg:$0x2] =	wrdreg s2  }
0xb3: {  	[dreg:$0x3] =	wrdreg s18  }
0xb4: {  	[dreg:$0x4] =	wrdreg s24  }
0xb5: {  	[dreg:$0x5] =	wrdreg s4  }
0xb6: {  	[dreg:$0x6] =	wrdreg s5  }
0xb7: {  	[dreg:$0x7] =	wrdreg s6  }
0xb8: {  	[dreg:$0x8] =	wrdreg $0x9  }
0xb9: {  	_ =	task.clear_ibuf [dreg:s11], $0x9FFFF;
	_ =	strace $0x9000004C  }
0xba: {  	s29 =	simm.s32 $0x9;
	_ =	strace $0x8000004E  }
0xbb: {  	_ =	swait.ge [sflag:s29], $0x1  }
0xbc: {  	[sflag:s29] =	ssyncadd.s32 $0xFFFFFFFF  }
0xbd: {  	_ =	strace $0x9000004E  }
0xbe: {  	_ =	sfence  }
0xbf: {  	s30 =	sld [smem:$0x0];
	_ =	sdelay $0x2  }
0xc0: {  	s31 =	sshll.u32 s1, $0xD;
	s1 =	sshrl.u32 s1, $0x2  }
0xc1: {  	s3 =	sand.u32 $0x4000, s31;
	s1 =	sadd.s32 s1, s30  }
0xc2: {  	s0 =	sor.u32 s3, s0;
	s1 =	sshll.u32 s1, $0x11  }
0xc3: {  	s0 =	sor.u32 s1, s0  }
0xc4: {  	s0 =	sadd.s32 $0x8F2B, s0  }
0xc5: {  	[sflag:s0] =	ssyncadd.remote.s32 $0x1  }
0xc6: {  	_ =	sfence.sel $0xFFFF  }
0xc7: {  	[dreg:$0x0] =	wrdreg $0xFFFFFFFF;
	(pc) =	sbr.abs _section_cstart, $3  }
0xc8: {  	[dreg:$0x1] =	wrdreg $0xFFFFFFFF  }
0xc9: {  	_ =	task.clear_ibuf [dreg:s11], $0x2FFFF;
	_ =	strace $0x9FFFFFFF  }
0xca: {  	(tm) =	ssettm $0x7FFFFFFF  }
0xcb: {  	_ =	shalt  }
tec
execute0_lowered:
.L_overlay_start_1:
0x0: {  	(tag) =	ssettag $0x1  }
0x1: {  	s0 =	rddreg [dreg:$0x0]  }
0x2: {  	s4 =	rddreg [dreg:$0x1]  }
0x3: {  	s6 =	rddreg [dreg:$0x2]  }
0x4: {  	s1 =	rddreg [dreg:$0x3]  }
0x5: {  	s2 =	rddreg [dreg:$0x4]  }
0x6: {  	s9 =	rddreg [dreg:$0x5];
	s3 =	simm.s32 $0x0;
	s7 =	srdreg.scid  }
0x7: {  	s10 =	stileid.u32;
	s12 =	simm.s32 $0x200;
	s13 =	simm.s32 $0x80  }
0x8: {  	s19 =	simm.s32 $0x280;
	s23 =	simm.s32 $0x100;
	s25 =	simm.s32 $0x300  }
0x9: {  	s29 =	simm.s32 $0x4700;
	s30 =	simm.s32 $0x180;
	s31 =	simm.s32 $0x1C00  }
0xa: {  	v0 =	vlaneseq.u32;
	s14 =	simm.s32 $0x4580;
	s15 =	simm.s32 $0x4780;
	s16 =	simm.s32 $0x1  }
0xb: {  	s17 =	simm.s32 $0x4A00;
	s18 =	simm.s32 $0x4800;
	s20 =	simm.s32 $0x0;
	v0 =	vmul.u32 $0x10, v0  }
0xc: {  	[smem:$0x7FF] =	sst s3;
	s5 =	sadd.s32 $0x1E9200, s6;
	s7 =	sand.u32 $0x1, s7  }
0xd: {  	s10 =	sshll.u32 s10, $0x7;
	s8 =	ssub.s32 $0x2, s7;
	s7 =	sshll.u32 s7, $0x6;
	v1 =	vor.u32 $0x1, v0;
	v2 =	vor.u32 $0x2, v0;
	v3 =	vor.u32 $0x3, v0  }
0xe: {  	s6 =	sadd.s32 $0x5B9E00, s6;
	s11 =	sshrl.u32 s8, $0x1;
	s10 =	sor.u32 s7, s10;
	v4 =	vor.u32 $0x4, v0;
	v5 =	vor.u32 $0x5, v0;
	v6 =	vor.u32 $0x6, v0  }
0xf: {  	_ =	strace $0x8000004D;
	v7 =	vor.u32 $0x7, v0;
	v8 =	vor.u32 $0x8, v0;
	v9 =	vor.u32 $0x9, v0;
	s11 =	ssub.s32 s8, s11;
	s7 =	sadd.s32 s0, s10  }
0x10: {  	v10 =	vor.u32 $0xA, v0;
	v11 =	vor.u32 $0xB, v0;
	v12 =	vor.u32 $0xC, v0;
	s8 =	sadd.s32 s4, s10;
	s9 =	sadd.s32 s9, s10;
	s0 =	simm.s32 $0x380  }
0x11: {  	v13 =	vor.u32 $0xD, v0;
	v14 =	vor.u32 $0xE, v0;
	v15 =	vor.u32 $0xF, v0;
	s4 =	simm.s32 $0x3C00;
	s10 =	smax.u32 s11, $0x1;
	s11 =	simm.s32 $0x2  }
.LBB2_1:
0x12: {  	[tilespmem:s3], [sflag:$0x2] =	stream.linear.gather [hbm4b:s7+s3], $0x200, $0x38;
	[tilespmem:$0x4B00] =	vst v63  }
0x13: {  	_ =	swait.ge [sflag:s11], $0x200  }
0x14: {  	[sflag:s11] =	ssyncset.done $0x0  }
0x15: {  	[sflag:s11] =	ssyncadd.s32 $0xFFFFFE00  }
0x16: {  	[tilespmem:s12], [sflag:$0x2] =	stream.linear.gather [hbm4b:s8+s3], $0x200, $0x38;
	[tilespmem:$0x4B00] =	vst v63  }
0x17: {  	_ =	swait.ge [sflag:s11], $0x200  }
0x18: {  	[sflag:s11] =	ssyncset.done $0x0  }
0x19: {  	s21 =	simm.s32 $0x400;
	[sflag:s11] =	ssyncadd.s32 $0xFFFFFE00  }
0x1a: {  	[tilespmem:s21], [sflag:$0x1] =	stream.indirect.gather [hbm4b:s5+s13], $0x10, s3, s13, $0xb8;
	[tilespmem:$0x4B00] =	vst v63  }
0x1b: {  	s26 =	simm.s32 $0x2400  }
0x1c: {  	[tilespmem:s26], [sflag:$0x1] =	stream.indirect.gather [hbm4b:s6+s13], $0x10, s12, s13, $0xb8;
	[tilespmem:$0x4B00] =	vst v63  }
0x1d: {  	s22 =	simm.s32 $0x4400  }
0x1e: {  	[tilespmem:s22], [sflag:$0x1] =	stream.indirect.gather [hbm4b:s1+s13], $0x1, s3, s13, $0xb8;
	[tilespmem:$0x4B00] =	vst v63  }
0x1f: {  	s24 =	simm.s32 $0x4600  }
0x20: {  	[tilespmem:s24], [sflag:$0x1] =	stream.indirect.gather [hbm4b:s2+s13], $0x1, s12, s13, $0xb8;
	[tilespmem:$0x4B00] =	vst v63  }
0x21: {  	s26 =	simm.s32 $0xC00  }
0x22: {  	[tilespmem:s26], [sflag:$0x1] =	stream.indirect.gather [hbm4b:s5+s13], $0x10, s13, s13, $0xb8;
	[tilespmem:$0x4B00] =	vst v63  }
0x23: {  	s22 =	simm.s32 $0x2C00  }
0x24: {  	[tilespmem:s22], [sflag:$0x1] =	stream.indirect.gather [hbm4b:s6+s13], $0x10, s19, s13, $0xb8;
	[tilespmem:$0x4B00] =	vst v63  }
0x25: {  	s24 =	simm.s32 $0x4480  }
0x26: {  	[tilespmem:s24], [sflag:$0x1] =	stream.indirect.gather [hbm4b:s1+s13], $0x1, s13, s13, $0xb8;
	[tilespmem:$0x4B00] =	vst v63  }
0x27: {  	s26 =	simm.s32 $0x4680  }
0x28: {  	[tilespmem:s26], [sflag:$0x1] =	stream.indirect.gather [hbm4b:s2+s13], $0x1, s19, s13, $0xb8;
	[tilespmem:$0x4B00] =	vst v63  }
0x29: {  	s22 =	simm.s32 $0x1400  }
0x2a: {  	[tilespmem:s22], [sflag:$0x1] =	stream.indirect.gather [hbm4b:s5+s13], $0x10, s23, s13, $0xb8;
	[tilespmem:$0x4B00] =	vst v63  }
0x2b: {  	s24 =	simm.s32 $0x3400  }
0x2c: {  	[tilespmem:s24], [sflag:$0x1] =	stream.indirect.gather [hbm4b:s6+s13], $0x10, s25, s13, $0xb8;
	[tilespmem:$0x4B00] =	vst v63  }
0x2d: {  	s26 =	simm.s32 $0x4500  }
0x2e: {  	[tilespmem:s26], [sflag:$0x1] =	stream.indirect.gather [hbm4b:s1+s13], $0x1, s23, s13, $0xb8;
	[tilespmem:$0x4B00] =	vst v63  }
0x2f: {  	_ = 	snop  }
0x30: {  	[tilespmem:s29], [sflag:$0x1] =	stream.indirect.gather [hbm4b:s2+s13], $0x1, s25, s13, $0xb8;
	[tilespmem:$0x4B00] =	vst v63  }
0x31: {  	_ = 	snop  }
0x32: {  	[tilespmem:s31], [sflag:$0x1] =	stream.indirect.gather [hbm4b:s5+s13], $0x10, s30, s13, $0xb8;
	[tilespmem:$0x4B00] =	vst v63  }
0x33: {  	_ = 	snop  }
0x34: {  	[tilespmem:s4], [sflag:$0x1] =	stream.indirect.gather [hbm4b:s6+s13], $0x10, s0, s13, $0xb8;
	[tilespmem:$0x4B00] =	vst v63  }
0x35: {  	_ = 	snop  }
0x36: {  	[tilespmem:s14], [sflag:$0x1] =	stream.indirect.gather [hbm4b:s1+s13], $0x1, s30, s13, $0xb8;
	[tilespmem:$0x4B00] =	vst v63  }
0x37: {  	_ = 	snop  }
0x38: {  	[tilespmem:s15], [sflag:$0x1] =	stream.indirect.gather [hbm4b:s2+s13], $0x1, s0, s13, $0xb8;
	[tilespmem:$0x4B00] =	vst v63  }
0x39: {  	_ =	swait.ge [sflag:s16], $0x800  }
0x3a: {  	[sflag:s16] =	ssyncset.done $0x0  }
0x3b: {  	[sflag:s16] =	ssyncadd.s32 $0xFFFFF800  }
0x3c: {  	_ =	swait.ge [sflag:s16], $0x800  }
0x3d: {  	[sflag:s16] =	ssyncset.done $0x0  }
0x3e: {  	[sflag:s16] =	ssyncadd.s32 $0xFFFFF800  }
0x3f: {  	_ =	swait.ge [sflag:s16], $0x80  }
0x40: {  	[sflag:s16] =	ssyncset.done $0x0  }
0x41: {  	[sflag:s16] =	ssyncadd.s32 $0xFFFFFF80  }
0x42: {  	_ =	swait.ge [sflag:s16], $0x80  }
0x43: {  	[sflag:s16] =	ssyncset.done $0x0  }
0x44: {  	[sflag:s16] =	ssyncadd.s32 $0xFFFFFF80  }
0x45: {  	_ =	swait.ge [sflag:s16], $0x800  }
0x46: {  	[sflag:s16] =	ssyncset.done $0x0  }
0x47: {  	[sflag:s16] =	ssyncadd.s32 $0xFFFFF800  }
0x48: {  	_ =	swait.ge [sflag:s16], $0x800  }
0x49: {  	[sflag:s16] =	ssyncset.done $0x0  }
0x4a: {  	[sflag:s16] =	ssyncadd.s32 $0xFFFFF800  }
0x4b: {  	_ =	swait.ge [sflag:s16], $0x80  }
0x4c: {  	[sflag:s16] =	ssyncset.done $0x0  }
0x4d: {  	[sflag:s16] =	ssyncadd.s32 $0xFFFFFF80  }
0x4e: {  	_ =	swait.ge [sflag:s16], $0x80  }
0x4f: {  	[sflag:s16] =	ssyncset.done $0x0  }
0x50: {  	[sflag:s16] =	ssyncadd.s32 $0xFFFFFF80  }
0x51: {  	_ =	swait.ge [sflag:s16], $0x800  }
0x52: {  	[sflag:s16] =	ssyncset.done $0x0  }
0x53: {  	[sflag:s16] =	ssyncadd.s32 $0xFFFFF800  }
0x54: {  	_ =	swait.ge [sflag:s16], $0x800  }
0x55: {  	[sflag:s16] =	ssyncset.done $0x0  }
0x56: {  	[sflag:s16] =	ssyncadd.s32 $0xFFFFF800  }
0x57: {  	_ =	swait.ge [sflag:s16], $0x80  }
0x58: {  	[sflag:s16] =	ssyncset.done $0x0  }
0x59: {  	[sflag:s16] =	ssyncadd.s32 $0xFFFFFF80  }
0x5a: {  	_ =	swait.ge [sflag:s16], $0x80  }
0x5b: {  	[sflag:s16] =	ssyncset.done $0x0  }
0x5c: {  	[sflag:s16] =	ssyncadd.s32 $0xFFFFFF80  }
0x5d: {  	_ =	swait.ge [sflag:s16], $0x800  }
0x5e: {  	[sflag:s16] =	ssyncset.done $0x0  }
0x5f: {  	[sflag:s16] =	ssyncadd.s32 $0xFFFFF800  }
0x60: {  	_ =	swait.ge [sflag:s16], $0x800  }
0x61: {  	[sflag:s16] =	ssyncset.done $0x0  }
0x62: {  	[sflag:s16] =	ssyncadd.s32 $0xFFFFF800  }
0x63: {  	_ =	swait.ge [sflag:s16], $0x80  }
0x64: {  	[sflag:s16] =	ssyncset.done $0x0  }
0x65: {  	[sflag:s16] =	ssyncadd.s32 $0xFFFFFF80  }
0x66: {  	_ =	swait.ge [sflag:s16], $0x80  }
0x67: {  	[sflag:s16] =	ssyncset.done $0x0  }
0x68: {  	s21 =	simm.s32 $0x2480;
	[sflag:s16] =	ssyncadd.s32 $0xFFFFFF80  }
0x69: {  	s22 =	simm.s32 $0x480;
	v16 =	vld [tilespmem:s21+$0xFFFFFF80]  }
0x6a: {  	v17 =	vld [tilespmem:s22+$0xFFFFFF80];
	_ =	sdelay $0x3  }
0x6b: {  	v18 =	vunpack.i.l.bf16.f32 v16  }
0x6c: {  	v19 =	vunpack.i.u.bf16.f32 v17;
	v17 =	vunpack.i.l.bf16.f32 v17;
	v16 =	vunpack.i.u.bf16.f32 v16  }
0x6d: {  	v17 =	vmul.f32 v18, v17;
	v16 =	vmul.f32 v16, v19;
	_ =	sdelay $0x1  }
0x6e: {  	v16 =	vadd.f32 v17, v16;
	_ =	sdelay $0x1  }
0x6f: {  	[tilespmem:v0+s17+$0x0] =	vst.idx.msk $0xffff, v16  }
0x70: {  	v16 =	vld [tilespmem:s22+$0xFFFFFF90]  }
0x71: {  	v17 =	vld [tilespmem:s21+$0xFFFFFF90];
	_ =	sdelay $0x3  }
0x72: {  	v18 =	vunpack.i.u.bf16.f32 v16  }
0x73: {  	v16 =	vunpack.i.l.bf16.f32 v16;
	v19 =	vunpack.i.u.bf16.f32 v17;
	v17 =	vunpack.i.l.bf16.f32 v17  }
0x74: {  	v16 =	vmul.f32 v17, v16;
	v17 =	vmul.f32 v19, v18;
	_ =	sdelay $0x1  }
0x75: {  	v16 =	vadd.f32 v16, v17;
	_ =	sdelay $0x1  }
0x76: {  	[tilespmem:v1+s17+$0x0] =	vst.idx.msk $0xffff, v16  }
0x77: {  	v16 =	vld [tilespmem:s22+$0xFFFFFFA0]  }
0x78: {  	v17 =	vld [tilespmem:s21+$0xFFFFFFA0];
	_ =	sdelay $0x3  }
0x79: {  	v18 =	vunpack.i.l.bf16.f32 v16  }
0x7a: {  	v16 =	vunpack.i.u.bf16.f32 v16;
	v19 =	vunpack.i.u.bf16.f32 v17;
	v17 =	vunpack.i.l.bf16.f32 v17  }
0x7b: {  	v17 =	vmul.f32 v17, v18;
	v16 =	vmul.f32 v19, v16;
	_ =	sdelay $0x1  }
0x7c: {  	v16 =	vadd.f32 v17, v16;
	_ =	sdelay $0x1  }
0x7d: {  	[tilespmem:v2+s17+$0x0] =	vst.idx.msk $0xffff, v16  }
0x7e: {  	v16 =	vld [tilespmem:s22+$0xFFFFFFB0]  }
0x7f: {  	v17 =	vld [tilespmem:s21+$0xFFFFFFB0];
	_ =	sdelay $0x3  }
0x80: {  	v18 =	vunpack.i.u.bf16.f32 v16  }
0x81: {  	v16 =	vunpack.i.l.bf16.f32 v16;
	v19 =	vunpack.i.u.bf16.f32 v17;
	v17 =	vunpack.i.l.bf16.f32 v17  }
0x82: {  	v16 =	vmul.f32 v17, v16;
	v17 =	vmul.f32 v19, v18;
	_ =	sdelay $0x1  }
0x83: {  	v16 =	vadd.f32 v16, v17;
	_ =	sdelay $0x1  }
0x84: {  	[tilespmem:v3+s17+$0x0] =	vst.idx.msk $0xffff, v16  }
0x85: {  	v16 =	vld [tilespmem:s22+$0xFFFFFFC0]  }
0x86: {  	v17 =	vld [tilespmem:s21+$0xFFFFFFC0];
	_ =	sdelay $0x3  }
0x87: {  	v18 =	vunpack.i.u.bf16.f32 v16  }
0x88: {  	v16 =	vunpack.i.l.bf16.f32 v16;
	v19 =	vunpack.i.u.bf16.f32 v17;
	v17 =	vunpack.i.l.bf16.f32 v17  }
0x89: {  	v16 =	vmul.f32 v17, v16;
	v17 =	vmul.f32 v19, v18;
	_ =	sdelay $0x1  }
0x8a: {  	v16 =	vadd.f32 v16, v17;
	_ =	sdelay $0x1  }
0x8b: {  	[tilespmem:v4+s17+$0x0] =	vst.idx.msk $0xffff, v16  }
0x8c: {  	v16 =	vld [tilespmem:s22+$0xFFFFFFD0]  }
0x8d: {  	v17 =	vld [tilespmem:s21+$0xFFFFFFD0];
	_ =	sdelay $0x3  }
0x8e: {  	v18 =	vunpack.i.l.bf16.f32 v16  }
0x8f: {  	v16 =	vunpack.i.u.bf16.f32 v16;
	v19 =	vunpack.i.u.bf16.f32 v17;
	v17 =	vunpack.i.l.bf16.f32 v17  }
0x90: {  	v17 =	vmul.f32 v17, v18;
	v16 =	vmul.f32 v19, v16;
	_ =	sdelay $0x1  }
0x91: {  	v16 =	vadd.f32 v17, v16;
	_ =	sdelay $0x1  }
0x92: {  	[tilespmem:v5+s17+$0x0] =	vst.idx.msk $0xffff, v16  }
0x93: {  	v16 =	vld [tilespmem:s22+$0xFFFFFFE0]  }
0x94: {  	v17 =	vld [tilespmem:s21+$0xFFFFFFE0];
	_ =	sdelay $0x3  }
0x95: {  	v18 =	vunpack.i.u.bf16.f32 v16  }
0x96: {  	v16 =	vunpack.i.l.bf16.f32 v16;
	v19 =	vunpack.i.u.bf16.f32 v17;
	v17 =	vunpack.i.l.bf16.f32 v17  }
0x97: {  	v16 =	vmul.f32 v17, v16;
	v17 =	vmul.f32 v19, v18;
	_ =	sdelay $0x1  }
0x98: {  	v16 =	vadd.f32 v16, v17;
	_ =	sdelay $0x1  }
0x99: {  	[tilespmem:v6+s17+$0x0] =	vst.idx.msk $0xffff, v16  }
0x9a: {  	v16 =	vld [tilespmem:s22+$0xFFFFFFF0]  }
0x9b: {  	v17 =	vld [tilespmem:s21+$0xFFFFFFF0];
	_ =	sdelay $0x3  }
0x9c: {  	v18 =	vunpack.i.l.bf16.f32 v16  }
0x9d: {  	v16 =	vunpack.i.u.bf16.f32 v16;
	v19 =	vunpack.i.u.bf16.f32 v17;
	v17 =	vunpack.i.l.bf16.f32 v17  }
0x9e: {  	v17 =	vmul.f32 v17, v18;
	v16 =	vmul.f32 v19, v16;
	_ =	sdelay $0x1  }
0x9f: {  	v16 =	vadd.f32 v17, v16;
	_ =	sdelay $0x1  }
0xa0: {  	[tilespmem:v7+s17+$0x0] =	vst.idx.msk $0xffff, v16  }
0xa1: {  	v16 =	vld [tilespmem:s22+$0x0]  }
0xa2: {  	v17 =	vld [tilespmem:s21+$0x0];
	_ =	sdelay $0x3  }
0xa3: {  	v18 =	vunpack.i.u.bf16.f32 v16  }
0xa4: {  	v16 =	vunpack.i.l.bf16.f32 v16;
	v19 =	vunpack.i.u.bf16.f32 v17;
	v17 =	vunpack.i.l.bf16.f32 v17  }
0xa5: {  	v16 =	vmul.f32 v17, v16;
	v17 =	vmul.f32 v19, v18;
	_ =	sdelay $0x1  }
0xa6: {  	v16 =	vadd.f32 v16, v17;
	_ =	sdelay $0x1  }
0xa7: {  	[tilespmem:v8+s17+$0x0] =	vst.idx.msk $0xffff, v16  }
0xa8: {  	v16 =	vld [tilespmem:s22+$0x10]  }
0xa9: {  	v17 =	vld [tilespmem:s21+$0x10];
	_ =	sdelay $0x3  }
0xaa: {  	v18 =	vunpack.i.u.bf16.f32 v16  }
0xab: {  	v16 =	vunpack.i.l.bf16.f32 v16;
	v19 =	vunpack.i.u.bf16.f32 v17;
	v17 =	vunpack.i.l.bf16.f32 v17  }
0xac: {  	v16 =	vmul.f32 v17, v16;
	v17 =	vmul.f32 v19, v18;
	_ =	sdelay $0x1  }
0xad: {  	v16 =	vadd.f32 v16, v17;
	_ =	sdelay $0x1  }
0xae: {  	[tilespmem:v9+s17+$0x0] =	vst.idx.msk $0xffff, v16  }
0xaf: {  	v16 =	vld [tilespmem:s22+$0x20]  }
0xb0: {  	v17 =	vld [tilespmem:s21+$0x20];
	_ =	sdelay $0x3  }
0xb1: {  	v18 =	vunpack.i.u.bf16.f32 v16  }
0xb2: {  	v16 =	vunpack.i.l.bf16.f32 v16;
	v19 =	vunpack.i.u.bf16.f32 v17;
	v17 =	vunpack.i.l.bf16.f32 v17  }
0xb3: {  	v16 =	vmul.f32 v17, v16;
	v17 =	vmul.f32 v19, v18;
	_ =	sdelay $0x1  }
0xb4: {  	v16 =	vadd.f32 v16, v17;
	_ =	sdelay $0x1  }
0xb5: {  	[tilespmem:v10+s17+$0x0] =	vst.idx.msk $0xffff, v16  }
0xb6: {  	v16 =	vld [tilespmem:s22+$0x30]  }
0xb7: {  	v17 =	vld [tilespmem:s21+$0x30];
	_ =	sdelay $0x3  }
0xb8: {  	v18 =	vunpack.i.l.bf16.f32 v16  }
0xb9: {  	v16 =	vunpack.i.u.bf16.f32 v16;
	v19 =	vunpack.i.u.bf16.f32 v17;
	v17 =	vunpack.i.l.bf16.f32 v17  }
0xba: {  	v17 =	vmul.f32 v17, v18;
	v16 =	vmul.f32 v19, v16;
	_ =	sdelay $0x1  }
0xbb: {  	v16 =	vadd.f32 v17, v16;
	_ =	sdelay $0x1  }
0xbc: {  	[tilespmem:v11+s17+$0x0] =	vst.idx.msk $0xffff, v16  }
0xbd: {  	v16 =	vld [tilespmem:s22+$0x40]  }
0xbe: {  	v17 =	vld [tilespmem:s21+$0x40];
	_ =	sdelay $0x3  }
0xbf: {  	v18 =	vunpack.i.l.bf16.f32 v16  }
0xc0: {  	v16 =	vunpack.i.u.bf16.f32 v16;
	v19 =	vunpack.i.u.bf16.f32 v17;
	v17 =	vunpack.i.l.bf16.f32 v17  }
0xc1: {  	v17 =	vmul.f32 v17, v18;
	v16 =	vmul.f32 v19, v16;
	_ =	sdelay $0x1  }
0xc2: {  	v16 =	vadd.f32 v17, v16;
	_ =	sdelay $0x1  }
0xc3: {  	[tilespmem:v12+s17+$0x0] =	vst.idx.msk $0xffff, v16  }
0xc4: {  	v16 =	vld [tilespmem:s22+$0x50]  }
0xc5: {  	v17 =	vld [tilespmem:s21+$0x50];
	_ =	sdelay $0x3  }
0xc6: {  	v18 =	vunpack.i.u.bf16.f32 v16  }
0xc7: {  	v16 =	vunpack.i.l.bf16.f32 v16;
	v19 =	vunpack.i.u.bf16.f32 v17;
	v17 =	vunpack.i.l.bf16.f32 v17  }
0xc8: {  	v16 =	vmul.f32 v17, v16;
	v17 =	vmul.f32 v19, v18;
	_ =	sdelay $0x1  }
0xc9: {  	v16 =	vadd.f32 v16, v17;
	_ =	sdelay $0x1  }
0xca: {  	[tilespmem:v13+s17+$0x0] =	vst.idx.msk $0xffff, v16  }
0xcb: {  	v16 =	vld [tilespmem:s22+$0x60]  }
0xcc: {  	v17 =	vld [tilespmem:s21+$0x60];
	_ =	sdelay $0x3  }
0xcd: {  	v18 =	vunpack.i.l.bf16.f32 v16  }
0xce: {  	v16 =	vunpack.i.u.bf16.f32 v16;
	v19 =	vunpack.i.u.bf16.f32 v17;
	v17 =	vunpack.i.l.bf16.f32 v17  }
0xcf: {  	v17 =	vmul.f32 v17, v18;
	v16 =	vmul.f32 v19, v16;
	_ =	sdelay $0x1  }
0xd0: {  	v16 =	vadd.f32 v17, v16;
	_ =	sdelay $0x1  }
0xd1: {  	[tilespmem:v14+s17+$0x0] =	vst.idx.msk $0xffff, v16  }
0xd2: {  	v16 =	vld [tilespmem:s22+$0x70]  }
0xd3: {  	v17 =	vld [tilespmem:s21+$0x70];
	_ =	sdelay $0x3  }
0xd4: {  	v18 =	vunpack.i.l.bf16.f32 v16  }
0xd5: {  	v16 =	vunpack.i.u.bf16.f32 v16;
	v19 =	vunpack.i.u.bf16.f32 v17;
	v17 =	vunpack.i.l.bf16.f32 v17  }
0xd6: {  	v17 =	vmul.f32 v17, v18;
	v16 =	vmul.f32 v19, v16;
	_ =	sdelay $0x1  }
0xd7: {  	v16 =	vadd.f32 v17, v16;
	_ =	sdelay $0x1  }
0xd8: {  	s28 =	simm.s32 $0x0;
	[tilespmem:v15+s17+$0x0] =	vst.idx.msk $0xffff, v16  }
0xd9: {  	v16 =	vld [tilespmem:s28+$0x4400]  }
0xda: {  	v17 =	vld [tilespmem:s28+$0x4600];
	_ =	sdelay $0x1  }
0xdb: {  	v18 =	vld [tilespmem:$0x4A00];
	_ =	sdelay $0x1  }
0xdc: {  	v19 =	vld [tilespmem:$0x4A10]  }
0xdd: {  	v16 =	vadd.f32 v17, v16  }
0xde: {  	v17 =	vld [tilespmem:$0x4A20]  }
0xdf: {  	v20 =	vld [tilespmem:$0x4A30];
	v16 =	vadd.f32 v18, v16  }
0xe0: {  	v22 =	vld [tilespmem:$0x4A50]  }
0xe1: {  	v25 =	vld [tilespmem:$0x4A60];
	v16 =	vadd.f32 v19, v16  }
0xe2: {  	v18 =	vld [tilespmem:$0x4A40]  }
0xe3: {  	v24 =	vld [tilespmem:$0x4A70];
	v17 =	vadd.f32 v17, v16  }
0xe4: {  	v19 =	vld [tilespmem:$0x4A80]  }
0xe5: {  	v16 =	vld [tilespmem:$0x4A90];
	v21 =	vadd.f32 v20, v17  }
0xe6: {  	v20 =	vld [tilespmem:$0x4AA0]  }
0xe7: {  	v17 =	vld [tilespmem:$0x4AB0];
	v23 =	vadd.f32 v18, v21  }
0xe8: {  	v21 =	vld [tilespmem:$0x4AC0]  }
0xe9: {  	v18 =	vld [tilespmem:$0x4AD0];
	v26 =	vadd.f32 v22, v23  }
0xea: {  	v22 =	vld [tilespmem:$0x4AE0]  }
0xeb: {  	s24 =	simm.s32 $0x40;
	v23 =	vld [tilespmem:$0x4AF0];
	v25 =	vadd.f32 v25, v26  }
.LBB2_2:
0xec: {  	_ = 	snop  }
0xed: {  	p0 =	sne.s32 s24, $0x7C0;
	s21 =	sadd.s32 $0x100, s21;
	s22 =	sadd.s32 $0x100, s22;
	v24 =	vadd.f32 v24, v25  }
0xee: {  	s26 =	smov.u32 s24;
	s24 =	sadd.s32 $0x40, s24  }
0xef: {  	v19 =	vadd.f32 v19, v24;
	_ =	sdelay $0x1  }
0xf0: {  	v16 =	vadd.f32 v16, v19;
	_ =	sdelay $0x1  }
0xf1: {  	v16 =	vadd.f32 v20, v16;
	_ =	sdelay $0x1  }
0xf2: {  	v16 =	vadd.f32 v17, v16;
	_ =	sdelay $0x1  }
0xf3: {  	v16 =	vadd.f32 v21, v16;
	_ =	sdelay $0x1  }
0xf4: {  	v16 =	vadd.f32 v18, v16;
	_ =	sdelay $0x1  }
0xf5: {  	v16 =	vadd.f32 v22, v16;
	_ =	sdelay $0x1  }
0xf6: {  	v16 =	vadd.f32 v23, v16;
	_ =	sdelay $0x1  }
0xf7: {  	[tilespmem:s28+$0x4800] =	vst v16  }
0xf8: {  	v16 =	vld [tilespmem:s21+$0xFFFFFF80]  }
0xf9: {  	v17 =	vld [tilespmem:s22+$0xFFFFFF80];
	_ =	sdelay $0x3  }
0xfa: {  	v18 =	vunpack.i.l.bf16.f32 v16  }
0xfb: {  	v16 =	vunpack.i.u.bf16.f32 v16;
	v19 =	vunpack.i.u.bf16.f32 v17;
	v17 =	vunpack.i.l.bf16.f32 v17  }
0xfc: {  	v17 =	vmul.f32 v18, v17;
	v16 =	vmul.f32 v16, v19;
	_ =	sdelay $0x1  }
0xfd: {  	v16 =	vadd.f32 v17, v16;
	_ =	sdelay $0x1  }
0xfe: {  	[tilespmem:v0+s17+$0x0] =	vst.idx.msk $0xffff, v16  }
0xff: {  	v16 =	vld [tilespmem:s22+$0xFFFFFF90]  }
0x100: {  	v17 =	vld [tilespmem:s21+$0xFFFFFF90];
	_ =	sdelay $0x3  }
0x101: {  	v18 =	vunpack.i.u.bf16.f32 v16;
	v16 =	vunpack.i.l.bf16.f32 v16  }
0x102: {  	v19 =	vunpack.i.u.bf16.f32 v17;
	v17 =	vunpack.i.l.bf16.f32 v17  }
0x103: {  	v16 =	vmul.f32 v17, v16;
	v17 =	vmul.f32 v19, v18;
	_ =	sdelay $0x1  }
0x104: {  	v16 =	vadd.f32 v16, v17;
	_ =	sdelay $0x1  }
0x105: {  	[tilespmem:v1+s17+$0x0] =	vst.idx.msk $0xffff, v16  }
0x106: {  	v16 =	vld [tilespmem:s22+$0xFFFFFFA0]  }
0x107: {  	v17 =	vld [tilespmem:s21+$0xFFFFFFA0];
	_ =	sdelay $0x3  }
0x108: {  	v18 =	vunpack.i.l.bf16.f32 v16  }
0x109: {  	v16 =	vunpack.i.u.bf16.f32 v16;
	v19 =	vunpack.i.u.bf16.f32 v17;
	v17 =	vunpack.i.l.bf16.f32 v17  }
0x10a: {  	v17 =	vmul.f32 v17, v18;
	v16 =	vmul.f32 v19, v16;
	_ =	sdelay $0x1  }
0x10b: {  	v16 =	vadd.f32 v17, v16;
	_ =	sdelay $0x1  }
0x10c: {  	[tilespmem:v2+s17+$0x0] =	vst.idx.msk $0xffff, v16  }
0x10d: {  	v16 =	vld [tilespmem:s22+$0xFFFFFFB0]  }
0x10e: {  	v17 =	vld [tilespmem:s21+$0xFFFFFFB0];
	_ =	sdelay $0x3  }
0x10f: {  	v18 =	vunpack.i.u.bf16.f32 v16;
	v16 =	vunpack.i.l.bf16.f32 v16  }
0x110: {  	v19 =	vunpack.i.u.bf16.f32 v17;
	v17 =	vunpack.i.l.bf16.f32 v17  }
0x111: {  	v16 =	vmul.f32 v17, v16;
	v17 =	vmul.f32 v19, v18;
	_ =	sdelay $0x1  }
0x112: {  	v16 =	vadd.f32 v16, v17;
	_ =	sdelay $0x1  }
0x113: {  	[tilespmem:v3+s17+$0x0] =	vst.idx.msk $0xffff, v16  }
0x114: {  	v16 =	vld [tilespmem:s22+$0xFFFFFFC0]  }
0x115: {  	v17 =	vld [tilespmem:s21+$0xFFFFFFC0];
	_ =	sdelay $0x3  }
0x116: {  	v18 =	vunpack.i.u.bf16.f32 v16  }
0x117: {  	v16 =	vunpack.i.l.bf16.f32 v16;
	v19 =	vunpack.i.u.bf16.f32 v17;
	v17 =	vunpack.i.l.bf16.f32 v17  }
0x118: {  	v16 =	vmul.f32 v17, v16;
	v17 =	vmul.f32 v19, v18;
	_ =	sdelay $0x1  }
0x119: {  	v16 =	vadd.f32 v16, v17;
	_ =	sdelay $0x1  }
0x11a: {  	[tilespmem:v4+s17+$0x0] =	vst.idx.msk $0xffff, v16  }
0x11b: {  	v16 =	vld [tilespmem:s22+$0xFFFFFFD0]  }
0x11c: {  	v17 =	vld [tilespmem:s21+$0xFFFFFFD0];
	_ =	sdelay $0x3  }
0x11d: {  	v18 =	vunpack.i.l.bf16.f32 v16  }
0x11e: {  	v16 =	vunpack.i.u.bf16.f32 v16;
	v19 =	vunpack.i.u.bf16.f32 v17;
	v17 =	vunpack.i.l.bf16.f32 v17  }
0x11f: {  	v17 =	vmul.f32 v17, v18;
	v16 =	vmul.f32 v19, v16;
	_ =	sdelay $0x1  }
0x120: {  	v16 =	vadd.f32 v17, v16;
	_ =	sdelay $0x1  }
0x121: {  	[tilespmem:v5+s17+$0x0] =	vst.idx.msk $0xffff, v16  }
0x122: {  	v16 =	vld [tilespmem:s22+$0xFFFFFFE0]  }
0x123: {  	v17 =	vld [tilespmem:s21+$0xFFFFFFE0];
	_ =	sdelay $0x3  }
0x124: {  	v18 =	vunpack.i.u.bf16.f32 v16  }
0x125: {  	v16 =	vunpack.i.l.bf16.f32 v16;
	v19 =	vunpack.i.u.bf16.f32 v17;
	v17 =	vunpack.i.l.bf16.f32 v17  }
0x126: {  	v16 =	vmul.f32 v17, v16;
	v17 =	vmul.f32 v19, v18;
	_ =	sdelay $0x1  }
0x127: {  	v16 =	vadd.f32 v16, v17;
	_ =	sdelay $0x1  }
0x128: {  	[tilespmem:v6+s17+$0x0] =	vst.idx.msk $0xffff, v16  }
0x129: {  	v16 =	vld [tilespmem:s22+$0xFFFFFFF0]  }
0x12a: {  	v17 =	vld [tilespmem:s21+$0xFFFFFFF0];
	_ =	sdelay $0x3  }
0x12b: {  	v18 =	vunpack.i.l.bf16.f32 v16  }
0x12c: {  	v16 =	vunpack.i.u.bf16.f32 v16;
	v19 =	vunpack.i.u.bf16.f32 v17;
	v17 =	vunpack.i.l.bf16.f32 v17  }
0x12d: {  	v17 =	vmul.f32 v17, v18;
	v16 =	vmul.f32 v19, v16;
	_ =	sdelay $0x1  }
0x12e: {  	v16 =	vadd.f32 v17, v16;
	_ =	sdelay $0x1  }
0x12f: {  	[tilespmem:v7+s17+$0x0] =	vst.idx.msk $0xffff, v16  }
0x130: {  	v16 =	vld [tilespmem:s22+$0x0]  }
0x131: {  	v17 =	vld [tilespmem:s21+$0x0];
	_ =	sdelay $0x3  }
0x132: {  	v18 =	vunpack.i.u.bf16.f32 v16;
	v16 =	vunpack.i.l.bf16.f32 v16  }
0x133: {  	v19 =	vunpack.i.u.bf16.f32 v17;
	v17 =	vunpack.i.l.bf16.f32 v17  }
0x134: {  	v16 =	vmul.f32 v17, v16;
	v17 =	vmul.f32 v19, v18;
	_ =	sdelay $0x1  }
0x135: {  	v16 =	vadd.f32 v16, v17;
	_ =	sdelay $0x1  }
0x136: {  	[tilespmem:v8+s17+$0x0] =	vst.idx.msk $0xffff, v16  }
0x137: {  	v16 =	vld [tilespmem:s22+$0x10]  }
0x138: {  	v17 =	vld [tilespmem:s21+$0x10];
	_ =	sdelay $0x3  }
0x139: {  	v18 =	vunpack.i.u.bf16.f32 v16  }
0x13a: {  	v16 =	vunpack.i.l.bf16.f32 v16;
	v19 =	vunpack.i.u.bf16.f32 v17;
	v17 =	vunpack.i.l.bf16.f32 v17  }
0x13b: {  	v16 =	vmul.f32 v17, v16;
	v17 =	vmul.f32 v19, v18;
	_ =	sdelay $0x1  }
0x13c: {  	v16 =	vadd.f32 v16, v17;
	_ =	sdelay $0x1  }
0x13d: {  	[tilespmem:v9+s17+$0x0] =	vst.idx.msk $0xffff, v16  }
0x13e: {  	v16 =	vld [tilespmem:s22+$0x20]  }
0x13f: {  	v17 =	vld [tilespmem:s21+$0x20];
	_ =	sdelay $0x3  }
0x140: {  	v18 =	vunpack.i.u.bf16.f32 v16  }
0x141: {  	v16 =	vunpack.i.l.bf16.f32 v16;
	v19 =	vunpack.i.u.bf16.f32 v17;
	v17 =	vunpack.i.l.bf16.f32 v17  }
0x142: {  	v16 =	vmul.f32 v17, v16;
	v17 =	vmul.f32 v19, v18;
	_ =	sdelay $0x1  }
0x143: {  	v16 =	vadd.f32 v16, v17;
	_ =	sdelay $0x1  }
0x144: {  	[tilespmem:v10+s17+$0x0] =	vst.idx.msk $0xffff, v16  }
0x145: {  	v16 =	vld [tilespmem:s22+$0x30]  }
0x146: {  	v17 =	vld [tilespmem:s21+$0x30];
	_ =	sdelay $0x3  }
0x147: {  	v18 =	vunpack.i.l.bf16.f32 v16  }
0x148: {  	v16 =	vunpack.i.u.bf16.f32 v16;
	v19 =	vunpack.i.u.bf16.f32 v17;
	v17 =	vunpack.i.l.bf16.f32 v17  }
0x149: {  	v17 =	vmul.f32 v17, v18;
	v16 =	vmul.f32 v19, v16;
	_ =	sdelay $0x1  }
0x14a: {  	v16 =	vadd.f32 v17, v16;
	_ =	sdelay $0x1  }
0x14b: {  	[tilespmem:v11+s17+$0x0] =	vst.idx.msk $0xffff, v16  }
0x14c: {  	v16 =	vld [tilespmem:s22+$0x40]  }
0x14d: {  	v17 =	vld [tilespmem:s21+$0x40];
	_ =	sdelay $0x3  }
0x14e: {  	v18 =	vunpack.i.l.bf16.f32 v16  }
0x14f: {  	v16 =	vunpack.i.u.bf16.f32 v16;
	v19 =	vunpack.i.u.bf16.f32 v17;
	v17 =	vunpack.i.l.bf16.f32 v17  }
0x150: {  	v17 =	vmul.f32 v17, v18;
	v16 =	vmul.f32 v19, v16;
	_ =	sdelay $0x1  }
0x151: {  	v16 =	vadd.f32 v17, v16;
	_ =	sdelay $0x1  }
0x152: {  	[tilespmem:v12+s17+$0x0] =	vst.idx.msk $0xffff, v16  }
0x153: {  	v16 =	vld [tilespmem:s22+$0x50]  }
0x154: {  	v17 =	vld [tilespmem:s21+$0x50];
	_ =	sdelay $0x3  }
0x155: {  	v18 =	vunpack.i.u.bf16.f32 v16  }
0x156: {  	v16 =	vunpack.i.l.bf16.f32 v16;
	v19 =	vunpack.i.u.bf16.f32 v17;
	v17 =	vunpack.i.l.bf16.f32 v17  }
0x157: {  	v16 =	vmul.f32 v17, v16;
	v17 =	vmul.f32 v19, v18;
	_ =	sdelay $0x1  }
0x158: {  	v16 =	vadd.f32 v16, v17;
	_ =	sdelay $0x1  }
0x159: {  	[tilespmem:v13+s17+$0x0] =	vst.idx.msk $0xffff, v16  }
0x15a: {  	v16 =	vld [tilespmem:s22+$0x60]  }
0x15b: {  	v17 =	vld [tilespmem:s21+$0x60];
	_ =	sdelay $0x3  }
0x15c: {  	v18 =	vunpack.i.l.bf16.f32 v16  }
0x15d: {  	v16 =	vunpack.i.u.bf16.f32 v16;
	v19 =	vunpack.i.u.bf16.f32 v17;
	v17 =	vunpack.i.l.bf16.f32 v17  }
0x15e: {  	v17 =	vmul.f32 v17, v18;
	v16 =	vmul.f32 v19, v16;
	_ =	sdelay $0x1  }
0x15f: {  	v16 =	vadd.f32 v17, v16;
	_ =	sdelay $0x1  }
0x160: {  	[tilespmem:v14+s17+$0x0] =	vst.idx.msk $0xffff, v16  }
0x161: {  	v16 =	vld [tilespmem:s22+$0x70]  }
0x162: {  	v17 =	vld [tilespmem:s21+$0x70];
	_ =	sdelay $0x3  }
0x163: {  	v18 =	vunpack.i.l.bf16.f32 v16  }
0x164: {  	v16 =	vunpack.i.u.bf16.f32 v16;
	v19 =	vunpack.i.u.bf16.f32 v17;
	v17 =	vunpack.i.l.bf16.f32 v17  }
0x165: {  	v17 =	vmul.f32 v17, v18;
	v16 =	vmul.f32 v19, v16;
	_ =	sdelay $0x1  }
0x166: {  	v16 =	vadd.f32 v17, v16;
	_ =	sdelay $0x1  }
0x167: {  	s28 =	sshra.s32 s26, $0x2;
	[tilespmem:v15+s17+$0x0] =	vst.idx.msk $0xffff, v16  }
0x168: {  	v16 =	vld [tilespmem:s28+$0x4400]  }
0x169: {  	v17 =	vld [tilespmem:s28+$0x4600]  }
0x16a: {  	v18 =	vld [tilespmem:$0x4A00]  }
0x16b: {  	v19 =	vld [tilespmem:$0x4A10]  }
0x16c: {  	v20 =	vld [tilespmem:$0x4A20]  }
0x16d: {  	v21 =	vld [tilespmem:$0x4A30]  }
0x16e: {  	v16 =	vadd.f32 v17, v16;
	v22 =	vld [tilespmem:$0x4A40]  }
0x16f: {  	v25 =	vld [tilespmem:$0x4A50]  }
0x170: {  	v16 =	vadd.f32 v18, v16;
	v26 =	vld [tilespmem:$0x4A60]  }
0x171: {  	v24 =	vld [tilespmem:$0x4A70]  }
0x172: {  	v17 =	vadd.f32 v19, v16;
	v19 =	vld [tilespmem:$0x4A80]  }
0x173: {  	v16 =	vld [tilespmem:$0x4A90]  }
0x174: {  	v18 =	vadd.f32 v20, v17;
	v20 =	vld [tilespmem:$0x4AA0]  }
0x175: {  	v17 =	vld [tilespmem:$0x4AB0]  }
0x176: {  	v23 =	vadd.f32 v21, v18;
	v21 =	vld [tilespmem:$0x4AC0]  }
0x177: {  	v18 =	vld [tilespmem:$0x4AD0]  }
.Ltmp0:
0x178: {  	v27 =	vadd.f32 v22, v23;
	v22 =	vld [tilespmem:$0x4AE0];
	(pc) =	sbr.rel @p0 .LBB2_2-.Ltmp0, $3  }
0x179: {  	v23 =	vld [tilespmem:$0x4AF0]  }
0x17a: {  	v25 =	vadd.f32 v25, v27;
	_ =	sdelay $0x1  }
0x17b: {  	v25 =	vadd.f32 v26, v25  }
0x17c: {  	_ = 	snop  }
0x17d: {  	v24 =	vadd.f32 v24, v25;
	_ =	sdelay $0x1  }
0x17e: {  	v19 =	vadd.f32 v19, v24;
	_ =	sdelay $0x1  }
0x17f: {  	v16 =	vadd.f32 v16, v19;
	_ =	sdelay $0x1  }
0x180: {  	v16 =	vadd.f32 v20, v16;
	_ =	sdelay $0x1  }
0x181: {  	v16 =	vadd.f32 v17, v16;
	_ =	sdelay $0x1  }
0x182: {  	v16 =	vadd.f32 v21, v16;
	_ =	sdelay $0x1  }
0x183: {  	v16 =	vadd.f32 v18, v16;
	_ =	sdelay $0x1  }
0x184: {  	v16 =	vadd.f32 v22, v16;
	_ =	sdelay $0x1  }
0x185: {  	s20 =	sadd.s32 $0x1, s20;
	v16 =	vadd.f32 v23, v16  }
0x186: {  	p0 =	sne.s32 s20, s10  }
.Ltmp1:
0x187: {  	[tilespmem:s28+$0x4800] =	vst v16;
	(pc) =	sbr.rel @p0 .LBB2_1-.Ltmp1, $4  }
0x188: {  	[hbm4b:s9+s3] =	stream.linear.scatter [tilespmem:s18], [sflag:$0x2], $0x200, $0x38;
	[tilespmem:$0x4B00] =	vst v63  }
0x189: {  	_ =	swait.ge [sflag:s11], $0x200  }
0x18a: {  	[sflag:s11] =	ssyncset.done $0x0  }
0x18b: {  	[sflag:s11] =	ssyncadd.s32 $0xFFFFFE00  }
0x18c: {  	_ =	sfence.sel $0x180000  }
0x18d: {  	[bflag:$0x0] =	sbarrier.arrive $0xFFFF  }
0x18e: {  	_ =	strace $0x9000004D  }
0x18f: {  	s0 =	stileid.u32;
	[bflag:$0x2] =	sbarrier.arrive $0xFFFF  }
0x190: {  	p0 =	sne.s32 s0, $0x0;
	s0 =	rddreg [dreg:$0x6]  }
0x191: {  	s0 =	sadd.s32 @!p0 $0x100000, s0  }
0x192: {  	[sflag:s0] =	ssyncadd.tile.s32 @!p0 $0x1;
	_ =	shalt  }
.Lfunc_end2:
_tile_overlayer_lowered:
.L_overlay_start_2:
0x193: {  	(tag) =	ssettag $0x2  }
0x194: {  	s0 =	rddreg [dreg:$0x0];
	s2 =	stileid.u32  }
0x195: {  	s1 =	rddreg [dreg:$0x1];
	p0 =	sne.s32 s2, $0x0  }
0x196: {  	s3 =	rddreg [dreg:$0x2];
	[bflag:$0x3] =	sbarrier.arrive $0xFFFF;
	s2 =	simm.s32 @!p0 $0x1C02  }
0x197: {  	[timem:s3], [sflag:s2] =	dma.local @!p0 [hbm:s0], s1  }
0x198: {  	s0 =	simm.s32 @!p0 $0x2  }
0x199: {  	_ =	swait.ge @!p0 [sflag:s0], s1  }
0x19a: {  	s1 =	ssub.s32 @!p0 $0x0, s1;
	[sflag:s0] =	ssyncset.done @!p0 $0x0  }
0x19b: {  	[sflag:s0] =	ssyncadd.s32 @!p0 s1  }
0x19c: {  	[bflag:$0x3] =	sbarrier.arrive $0xFFFF  }
0x19d: {  	_ =	shalt  }

// kernel: sparse-core-data-format-call.1.cloned.1.call-start
scs
called_computation.1_lowered:
.L_overlay_start_0:
0x0: {  	s1 =	sld [smem:$0x3FD9]  }
0x1: {  	s2 =	sld [smem:$0x3FFE];
	_ =	sdelay $0x1  }
0x2: {  	s3 =	srdreg.scid  }
0x3: {  	s0 =	sand.u32 $0x1, s3  }
0x4: {  	s17 =	sshll.u32 s0, $0xA;
	s1 =	sadd.s32 s2, s1  }
0x5: {  	s1 =	sadd.s32 s1, s17  }
0x6: {  	[smem:$0x3FC2] =	sst s1  }
0x7: {  	_ = 	snop  }
0x8: {  	(tm) =	ssettm $0x1  }
0x9: {  	s18 =	sld [smem:$0x3FFB];
	_ =	sdelay $0x3  }
0xa: {  	_ =	strace s18  }
0xb: {  	s1 =	sld [smem:$0x3FFC];
	_ =	sdelay $0x3  }
0xc: {  	_ =	strace s1  }
0xd: {  	s1 =	sld [smem:$0x3FFD];
	_ =	sdelay $0x3  }
0xe: {  	_ =	strace s1  }
0xf: {  	_ =	strace $0x8FFFFFFF  }
0x10: {  	s19 =	sld [smem:$0x3FDB];
	_ =	sdelay $0x1  }
0x11: {  	s20 =	simm.s32 $_scs_section_size  }
0x12: {  	s4 =	simm.s32 $_size__tile_overlayer_lowered;
	s5 =	simm.s32 $_tile_overlayer_lowered  }
0x13: {  	s23 =	simm.s32 $0x1BFF;
	s22 =	sshll.u32 s5, $0x1;
	s1 =	sadd.s32 s20, s19  }
0x14: {  	s6 =	simm.s32 $0x0;
	s21 =	sshll.u32 s4, $0x1;
	s4 =	sadd.s32 s22, s1  }
0x15: {  	[timem:s6], [sflag:s23] =	dma.local [hbm:s4], s21  }
0x16: {  	_ =	swait.ge [sflag:s23], s21  }
0x17: {  	s2 =	ssub.s32 $0x0, s21;
	[sflag:s23] =	ssyncset.done $0x0  }
0x18: {  	[sflag:s23] =	ssyncadd.s32 s2;
	_ =	sdelay $0x1  }
0x19: {  	s24 =	simm.s32 $0x1B8B  }
0x1a: {  	_ =	swait.ge [sflag:s24], $0x1  }
0x1b: {  	[sflag:s24] =	ssyncset.done $0x0  }
0x1c: {  	s26 =	simm.s32 $0x1B8E;
	s25 =	sld [smem:$0x3FFE];
	[sflag:s24] =	ssyncadd.s32 $0xFFFFFFFF  }
0x1d: {  	s27 =	simm.s32 $execute0_lowered;
	[smem:$0x3FD2] =	sst s26  }
0x1e: {  	s4 =	sshll.u32 s27, $0x1;
	_ =	strace $0x80000046;
	[dreg:$0x1] =	wrdreg $0xFFFFFFFF  }
0x1f: {  	s28 =	simm.s32 $_size_execute0_lowered;
	s1 =	sadd.s32 s1, s4;
	[dreg:$0x0] =	wrdreg $0x0  }
0x20: {  	s4 =	sshll.u32 s28, $0x1;
	[dreg:$0x2] =	wrdreg s1  }
0x21: {  	[dreg:$0x3] =	wrdreg s4  }
0x22: {  	[dreg:$0x4] =	wrdreg $0xC0  }
0x23: {  	_ =	task [dreg:s6], $0x5FFFF  }
0x24: {  	[dreg:$0x1] =	wrdreg $0xFFFFFFFF  }
0x25: {  	[dreg:$0x0] =	wrdreg $0x60  }
0x26: {  	[dreg:$0x2] =	wrdreg s25  }
0x27: {  	[dreg:$0x3] =	wrdreg $0xA  }
0x28: {  	_ =	task.clear_ibuf [dreg:s6], $0x4FFFF;
	_ =	strace $0x90000046  }
0x29: {  	s29 =	simm.s32 $0xA;
	_ =	strace $0x80000048  }
0x2a: {  	_ =	swait.ge [sflag:s29], $0x1  }
0x2b: {  	[sflag:s29] =	ssyncadd.s32 $0xFFFFFFFF  }
0x2c: {  	_ =	strace $0x90000048  }
0x2d: {  	_ =	sfence  }
0x2e: {  	s30 =	sld [smem:$0x0];
	_ =	sdelay $0x2  }
0x2f: {  	s31 =	sshll.u32 s3, $0xD;
	s3 =	sshrl.u32 s3, $0x2  }
0x30: {  	s2 =	sand.u32 $0x4000, s31;
	s1 =	sadd.s32 s3, s30  }
0x31: {  	s0 =	sor.u32 s2, s0;
	s1 =	sshll.u32 s1, $0x11  }
0x32: {  	s0 =	sor.u32 s1, s0  }
0x33: {  	s0 =	sadd.s32 $0x8F2B, s0  }
0x34: {  	[sflag:s0] =	ssyncadd.remote.s32 $0x1  }
0x35: {  	_ =	sfence.sel $0xFFFF  }
0x36: {  	[dreg:$0x0] =	wrdreg $0xFFFFFFFF;
	(pc) =	sbr.abs _section_cstart, $3  }
0x37: {  	[dreg:$0x1] =	wrdreg $0xFFFFFFFF  }
0x38: {  	_ =	task.clear_ibuf [dreg:s6], $0x2FFFF;
	_ =	strace $0x9FFFFFFF  }
0x39: {  	(tm) =	ssettm $0x7FFFFFFF  }
tec
execute0_lowered:
.L_overlay_start_1:
0x0: {  	(tag) =	ssettag $0x1  }
0x1: {  	s0 =	srdreg.scid  }
0x2: {  	s5 =	rddreg [dreg:$0x0];
	s1 =	stileid.u32;
	s4 =	simm.s32 $0x1  }
0x3: {  	s6 =	simm.s32 $0x2;
	s8 =	simm.s32 $0x0;
	s2 =	sshll.u32 s0, $0x4  }
0x4: {  	s9 =	simm.s32 $0x0;
	s13 =	simm.s32 $0x0;
	s2 =	sand.u32 $0x10, s2  }
.Ltmp0:
0x5: {  	s10 =	simm.s32 $0x0;
	s3 =	sor.u32 s1, s2;
	(pc) =	sbr.rel .LBB1_1-.Ltmp0, $4  }
0x6: {  	s0 =	rddreg [dreg:$0x1];
	_ =	strace $0x80000047;
	s3 =	sshll.u32 s3, $0x4  }
0x7: {  	s12 =	simm.s32 $0x0;
	[sflag:s4] =	ssyncpa.u1 $0x0;
	s7 =	ssub.s32 $0x3D00, s3  }
0x8: {  	s2 =	sadd.s32 $0xC00, s5;
	[sflag:s6] =	ssyncpa.u1 $0x0;
	s6 =	sshrl.u32 s7, $0x9  }
0x9: {  	s5 =	sadd.s32 $0x1E9200, s5;
	s11 =	smov.u32 s3;
	s7 =	sadd.s32 $0x2, s6  }
.LBB1_7:
0xa: {  	s15 =	sshll.u32 s12, $0xF  }
0xb: {  	s15 =	sand.u32 $0x8000, s15  }
0xc: {  	s16 =	sshll.u32 s10, $0x7;
	s15 =	sshrl.u32 s15, $0x1  }
0xd: {  	s16 =	sadd.s32 s5, s16;
	s15 =	sor.u32 $0x8000, s15  }
0xe: {  	[hbm4b:s16+s8] =	stream.linear.scatter [tilespmem:s15], [sflag:$0x2], s14, $0x38;
	[tilespmem:$0x10000] =	vst v63  }
.LBB1_8:
0xf: {  	p0 =	slt.u32 s12, $0x2  }
0x10: {  	p1 =	sgt.s32 @!p0 s13, $0x3CF9  }
0x11: {  	s14 =	smov.u32 s13;
	s15 =	sshra.s32 @!p0 s13, $0x1F;
	p1 =	por !p1, p0  }
0x12: {  	s13 =	sand.u32 @!p0 s15, s13;
	s14 =	simm.s32 @p1 $0x3CF9  }
0x13: {  	s13 =	ssub.s32 @!p0 s14, s13  }
0x14: {  	s13 =	sadd.s32 @!p0 $0xFFFFC307, s13  }
0x15: {  	s14 =	sshll.u32 @!p0 s13, $0xC  }
0x16: {  	p1 =	sgt.s32 @!p0 s13, $0xF;
	s13 =	ssub.s32 @!p0 $0x10000, s14  }
0x17: {  	s15 =	sadd.s32 $0x200, s11;
	p1 =	por !p1, p0;
	s13 =	sshrl.u32 @!p0 s13, $0x2  }
0x18: {  	s13 =	simm.s32 @!p1 $0x0;
	p1 =	sgt.s32 s15, $0x3D08  }
0x19: {  	s15 =	smov.u32 @p1 s3;
	p1 =	sne.s32 s12, s7  }
.Ltmp1:
0x1a: {  	_ = 	snop;
	(pc) =	sbr.rel @!p1 .LBB1_9-.Ltmp1, $4  }
0x1b: {  	s14 =	simm.s32 @!p0 $0x2  }
0x1c: {  	s9 =	sadd.s32 $0x8000, s9;
	_ =	swait.ge @!p0 [sflag:s14], s13;
	s16 =	ssub.s32 @!p0 $0x0, s13  }
0x1d: {  	s13 =	smov.u32 s10;
	s12 =	sadd.s32 $0x1, s12;
	[sflag:s14] =	ssyncset.done @!p0 $0x0  }
0x1e: {  	s10 =	smov.u32 s11;
	s11 =	smov.u32 s15;
	[sflag:s14] =	ssyncadd.s32 @!p0 s16  }
.LBB1_1:
0x1f: {  	p0 =	sgt.u32 s12, s6  }
0x20: {  	p1 =	sgt.s32 @!p0 s11, $0x3CF9  }
0x21: {  	s14 =	smov.u32 s11;
	s15 =	sshra.s32 @!p0 s11, $0x1F;
	p1 =	por !p1, p0  }
0x22: {  	s15 =	sand.u32 @!p0 s15, s11;
	s14 =	simm.s32 @p1 $0x3CF9  }
0x23: {  	s14 =	ssub.s32 @!p0 s14, s15  }
0x24: {  	s14 =	sadd.s32 @!p0 $0xFFFFC307, s14  }
0x25: {  	s16 =	sshll.u32 @!p0 s11, $0x7;
	s17 =	simm.s32 @!p0 $0x0;
	s15 =	sshll.u32 @!p0 s14, $0xC  }
0x26: {  	p1 =	sgt.s32 @!p0 s14, $0xF;
	s14 =	ssub.s32 @!p0 $0x10000, s15;
	s15 =	sxor.u32 @!p0 $0xFFFFFFFF, s12  }
0x27: {  	p1 =	por !p1, p0;
	s14 =	sshrl.u32 @!p0 s14, $0x2;
	s15 =	sshll.u32 @!p0 s15, $0xE  }
0x28: {  	s16 =	sadd.s32 @!p0 s2, s16;
	s14 =	simm.s32 @!p1 $0x0;
	s15 =	sand.u32 @!p0 $0x4000, s15  }
0x29: {  	[tilespmem:s15], [sflag:$0x1] =	stream.linear.gather @!p0 [hbm4b:s16+s17], s14, $0x38;
	[tilespmem:$0x10000] =	vst v63  }
0x2a: {  	p0 =	seq.s32 s12, $0x0  }
0x2b: {  	p1 =	sge.u32 @!p0 s12, s7  }
0x2c: {  	p0 =	por p0, p1  }
.Ltmp2:
0x2d: {  	_ = 	snop;
	(pc) =	sbr.rel @p0 .LBB1_8-.Ltmp2, $1  }
0x2e: {  	_ =	sdelay $0x3  }
0x2f: {  	p0 =	sgt.s32 s10, $0x3CF9;
	s14 =	smov.u32 s10;
	s15 =	sshra.s32 s10, $0x1F  }
0x30: {  	s14 =	simm.s32 @!p0 $0x3CF9;
	s15 =	sand.u32 s15, s10  }
0x31: {  	s14 =	ssub.s32 s14, s15  }
0x32: {  	s16 =	sadd.s32 $0x10, s10;
	s14 =	sadd.s32 $0xFFFFC307, s14  }
0x33: {  	p1 =	slt.s32 s16, $0x3D09;
	s30 =	sshll.u32 s14, $0xC  }
0x34: {  	s16 =	simm.s32 @!p1 $0x3D09;
	s15 =	ssub.s32 $0x10000, s30  }
0x35: {  	p0 =	sgt.s32 s14, $0xF;
	s14 =	sshrl.u32 s15, $0x2;
	s15 =	ssub.s32 s16, s10  }
0x36: {  	s14 =	simm.s32 @p0 $0x0;
	p0 =	slt.s32 s15, $0x1  }
.Ltmp3:
0x37: {  	_ = 	snop;
	(pc) =	sbr.rel @p0 .LBB1_7-.Ltmp3, $4  }
0x38: {  	_ = 	snop  }
0x39: {  	_ =	swait.ge [sflag:s4], s14  }
0x3a: {  	s31 =	ssub.s32 $0x0, s14;
	[sflag:s4] =	ssyncset.done $0x0  }
0x3b: {  	[sflag:s4] =	ssyncadd.s32 s31  }
0x3c: {  	s16 =	sshrl.u32 s9, $0x1  }
0x3d: {  	s17 =	sand.u32 $0x4000, s16  }
0x3e: {  	s18 =	simm.s32 $0x0;
	s16 =	sor.u32 $0x200, s17;
	s17 =	sor.u32 $0x8080, s17  }
.LBB1_4:
0x3f: {  	v0 =	vld [tilespmem:s16+$0xFFFFFE70]  }
0x40: {  	v1 =	vld [tilespmem:s16+$0x70]  }
0x41: {  	v2 =	vld [tilespmem:s16+$0x0]  }
0x42: {  	v3 =	vld [tilespmem:s16+$0xFFFFFE10]  }
0x43: {  	v4 =	vld [tilespmem:s16+$0x10]  }
0x44: {  	v5 =	vld [tilespmem:s16+$0xFFFFFE20]  }
0x45: {  	v7 =	vld [tilespmem:s16+$0x20]  }
0x46: {  	v11 =	vld [tilespmem:s16+$0x30];
	v6 =	vunpack.i.l.s16.s32 v0;
	v8 =	vunpack.i.u.s16.s32 v0;
	v9 =	vunpack.i.u.s16.s32 v1  }
0x47: {  	v10 =	vunpack.i.l.s16.s32 v1;
	v0 =	vunpack.i.u.s16.s32 v2;
	v1 =	vunpack.i.l.s16.s32 v2;
	v2 =	vld [tilespmem:s16+$0xFFFFFE30]  }
0x48: {  	v8 =	vpack.i.b32.b16 v9, v8;
	v9 =	vunpack.i.u.s16.s32 v3;
	v3 =	vunpack.i.l.s16.s32 v3  }
0x49: {  	v12 =	vld [tilespmem:s16+$0xFFFFFE40];
	v6 =	vpack.i.b32.b16 v10, v6;
	[tilespmem:s17+$0x70] =	vst v8;
	v8 =	vunpack.i.u.s16.s32 v4;
	v4 =	vunpack.i.l.s16.s32 v4  }
0x4a: {  	v13 =	vld [tilespmem:s16+$0x40];
	v10 =	vunpack.i.u.s16.s32 v5;
	v5 =	vunpack.i.l.s16.s32 v5;
	[tilespmem:s17+$0xFFFFFFF0] =	vst v6;
	v3 =	vpack.i.b32.b16 v4, v3  }
0x4b: {  	v6 =	vunpack.i.l.s16.s32 v7;
	v4 =	vld [tilespmem:s16+$0xFFFFFE50];
	[tilespmem:s17+$0xFFFFFF90] =	vst v3;
	v3 =	vpack.i.b32.b16 v8, v9;
	v8 =	vunpack.i.u.s16.s32 v7  }
0x4c: {  	v7 =	vunpack.i.l.s16.s32 v11;
	[tilespmem:s17+$0x10] =	vst v3;
	v3 =	vpack.i.b32.b16 v6, v5;
	v9 =	vunpack.i.u.s16.s32 v2;
	v6 =	vld [tilespmem:s16+$0x50]  }
0x4d: {  	v5 =	vunpack.i.l.s16.s32 v2;
	v2 =	vld [tilespmem:s16+$0xFFFFFE60];
	[tilespmem:s17+$0xFFFFFFA0] =	vst v3;
	v3 =	vpack.i.b32.b16 v8, v10;
	v10 =	vunpack.i.u.s16.s32 v11  }
0x4e: {  	s21 =	simm.s32 $0x0;
	v11 =	vpack.i.b32.b16 v7, v5;
	v7 =	vunpack.i.u.s16.s32 v12;
	v8 =	vunpack.i.l.s16.s32 v12;
	[tilespmem:s17+$0x20] =	vst v3;
	v3 =	vld [tilespmem:s16+$0x60]  }
0x4f: {  	s22 =	sadd.s32 $0x80, s16;
	s20 =	smov.u32 s17;
	s19 =	smov.u32 s17;
	v5 =	vld [tilespmem:s16+$0xFFFFFE00];
	[tilespmem:s17+$0xFFFFFFB0] =	vst v11;
	v10 =	vpack.i.b32.b16 v10, v9;
	v9 =	vunpack.i.u.s16.s32 v13;
	v11 =	vunpack.i.l.s16.s32 v13  }
.LBB1_5:
0x50: {  	v12 =	vld [tilespmem:s22+$0xFFFFFE70];
	[tilespmem:s20+$0x30] =	vst v10;
	v8 =	vpack.i.b32.b16 v11, v8;
	v10 =	vunpack.i.u.s16.s32 v4;
	v4 =	vunpack.i.l.s16.s32 v4  }
0x51: {  	s21 =	sadd.s32 $0x2, s21;
	v7 =	vpack.i.b32.b16 v9, v7;
	v11 =	vld [tilespmem:s22+$0x70];
	[tilespmem:s20+$0xFFFFFFC0] =	vst v8;
	v8 =	vunpack.i.u.s16.s32 v6;
	v6 =	vunpack.i.l.s16.s32 v6  }
0x52: {  	p0 =	slt.u32 s21, $0x6;
	v9 =	vld [tilespmem:s22+$0x0];
	[tilespmem:s20+$0x40] =	vst v7;
	v4 =	vpack.i.b32.b16 v6, v4;
	v6 =	vunpack.i.u.s16.s32 v2;
	v2 =	vunpack.i.l.s16.s32 v2  }
0x53: {  	v7 =	vld [tilespmem:s22+$0xFFFFFE10];
	[tilespmem:s20+$0xFFFFFFD0] =	vst v4;
	v4 =	vpack.i.b32.b16 v8, v10;
	v8 =	vunpack.i.u.s16.s32 v3;
	v3 =	vunpack.i.l.s16.s32 v3  }
0x54: {  	v10 =	vld [tilespmem:s22+$0x10];
	v13 =	vunpack.i.u.s16.s32 v5;
	v5 =	vunpack.i.l.s16.s32 v5;
	[tilespmem:s20+$0x50] =	vst v4;
	v2 =	vpack.i.b32.b16 v3, v2  }
0x55: {  	v3 =	vld [tilespmem:s22+$0xFFFFFE20];
	v4 =	vunpack.i.l.s16.s32 v12;
	v1 =	vpack.i.b32.b16 v1, v5;
	v5 =	vpack.i.b32.b16 v0, v13;
	[tilespmem:s20+$0xFFFFFFE0] =	vst v2  }
0x56: {  	v12 =	vunpack.i.u.s16.s32 v12;
	v2 =	vld [tilespmem:s22+$0x20];
	v13 =	vunpack.i.u.s16.s32 v11;
	v11 =	vunpack.i.l.s16.s32 v11;
	[tilespmem:s20+$0xFFFFFF80] =	vst v1  }
0x57: {  	s20 =	sadd.s32 $0x100, s20;
	v0 =	vunpack.i.u.s16.s32 v9;
	v1 =	vunpack.i.l.s16.s32 v9;
	v9 =	vld [tilespmem:s22+$0xFFFFFE30];
	v12 =	vpack.i.b32.b16 v13, v12;
	[tilespmem:s19+$0x0] =	vst v5  }
0x58: {  	v6 =	vpack.i.b32.b16 v8, v6;
	v5 =	vunpack.i.u.s16.s32 v7;
	v7 =	vunpack.i.l.s16.s32 v7;
	v13 =	vld [tilespmem:s22+$0x30];
	[tilespmem:s20+$0x70] =	vst v12  }
0x59: {  	v4 =	vpack.i.b32.b16 v11, v4;
	v8 =	vunpack.i.u.s16.s32 v10;
	v10 =	vunpack.i.l.s16.s32 v10;
	v12 =	vld [tilespmem:s22+$0xFFFFFE40];
	[tilespmem:s19+$0x60] =	vst v6;
	s19 =	smov.u32 s20  }
0x5a: {  	v6 =	vpack.i.b32.b16 v10, v7;
	v7 =	vunpack.i.u.s16.s32 v3;
	v3 =	vunpack.i.l.s16.s32 v3;
	v11 =	vld [tilespmem:s22+$0x40];
	[tilespmem:s20+$0xFFFFFFF0] =	vst v4  }
.Ltmp4:
0x5b: {  	v5 =	vpack.i.b32.b16 v8, v5;
	[tilespmem:s20+$0xFFFFFF90] =	vst v6;
	v8 =	vunpack.i.u.s16.s32 v2;
	v2 =	vunpack.i.l.s16.s32 v2;
	v4 =	vld [tilespmem:s22+$0xFFFFFE50];
	(pc) =	sbr.rel @p0 .LBB1_5-.Ltmp4, $4  }
0x5c: {  	[tilespmem:s20+$0x10] =	vst v5;
	v2 =	vpack.i.b32.b16 v2, v3;
	v10 =	vunpack.i.u.s16.s32 v9;
	v3 =	vunpack.i.l.s16.s32 v9;
	v6 =	vld [tilespmem:s22+$0x50]  }
0x5d: {  	v5 =	vpack.i.b32.b16 v8, v7;
	[tilespmem:s20+$0xFFFFFFA0] =	vst v2;
	v9 =	vunpack.i.u.s16.s32 v13;
	v7 =	vunpack.i.l.s16.s32 v13;
	v2 =	vld [tilespmem:s22+$0xFFFFFE60]  }
0x5e: {  	[tilespmem:s20+$0x20] =	vst v5;
	v13 =	vpack.i.b32.b16 v7, v3;
	v7 =	vunpack.i.u.s16.s32 v12;
	v8 =	vunpack.i.l.s16.s32 v12;
	v3 =	vld [tilespmem:s22+$0x60]  }
0x5f: {  	v10 =	vpack.i.b32.b16 v9, v10;
	v5 =	vld [tilespmem:s22+$0xFFFFFE00];
	[tilespmem:s20+$0xFFFFFFB0] =	vst v13;
	v9 =	vunpack.i.u.s16.s32 v11;
	v11 =	vunpack.i.l.s16.s32 v11;
	s22 =	sadd.s32 $0x80, s22  }
0x60: {  	[tilespmem:s20+$0x30] =	vst v10;
	v8 =	vpack.i.b32.b16 v11, v8  }
0x61: {  	v51 =	vunpack.i.l.s16.s32 v4;
	v7 =	vpack.i.b32.b16 v9, v7;
	[tilespmem:s20+$0xFFFFFFC0] =	vst v8;
	v52 =	vunpack.i.l.s16.s32 v6  }
0x62: {  	v53 =	vunpack.i.u.s16.s32 v4;
	s18 =	sadd.s32 $0x1, s18;
	v54 =	vunpack.i.u.s16.s32 v6;
	[tilespmem:s20+$0x40] =	vst v7;
	v55 =	vpack.i.b32.b16 v52, v51  }
0x63: {  	p0 =	sne.s32 s18, s15;
	v56 =	vunpack.i.l.s16.s32 v2;
	v4 =	vpack.i.b32.b16 v54, v53;
	[tilespmem:s20+$0xFFFFFFD0] =	vst v55;
	v57 =	vunpack.i.l.s16.s32 v3  }
.Ltmp5:
0x64: {  	[tilespmem:s20+$0x50] =	vst v4;
	v58 =	vunpack.i.l.s16.s32 v5;
	v59 =	vpack.i.b32.b16 v57, v56;
	(pc) =	sbr.rel @p0 .LBB1_4-.Ltmp5, $4  }
.Ltmp6:
0x65: {  	v61 =	vunpack.i.u.s16.s32 v2;
	v62 =	vunpack.i.u.s16.s32 v3;
	v1 =	vpack.i.b32.b16 v1, v58;
	[tilespmem:s20+$0xFFFFFFE0] =	vst v59;
	(pc) =	sbr.rel @!p0 .LBB1_7-.Ltmp6, $4  }
0x66: {  	v60 =	vunpack.i.u.s16.s32 v5;
	v63 =	vpack.i.b32.b16 v62, v61;
	[tilespmem:s20+$0xFFFFFF80] =	vst v1  }
0x67: {  	v0 =	vpack.i.b32.b16 v0, v60;
	[tilespmem:s19+$0x60] =	vst v63  }
0x68: {  	s16 =	sadd.s32 $0x400, s16;
	s17 =	sadd.s32 $0x400, s17;
	[tilespmem:s19+$0x0] =	vst v0  }
0x69: {  	_ = 	snop  }
.LBB1_9:
0x6a: {  	_ =	sfence.sel $0x180000  }
0x6b: {  	s2 =	simm.s32 $0x1;
	[bflag:$0x0] =	sbarrier.arrive $0xFFFF  }
0x6c: {  	s31 =	simm.s32 $0x2;
	[sflag:s2] =	ssyncpa.u1 $0x1  }
0x6d: {  	[sflag:s31] =	ssyncpa.u1 $0x1  }
0x6e: {  	p0 =	sne.s32 s1, $0x0;
	_ =	strace $0x90000047  }
0x6f: {  	s0 =	sadd.s32 @!p0 $0x100000, s0;
	[bflag:$0x2] =	sbarrier.arrive $0xFFFF  }
0x70: {  	[sflag:s0] =	ssyncadd.tile.s32 @!p0 $0x1;
	_ =	shalt  }
.Lfunc_end1:
_tile_overlayer_lowered:
.L_overlay_start_2:
0x71: {  	(tag) =	ssettag $0x2  }
0x72: {  	s0 =	rddreg [dreg:$0x0];
	s2 =	stileid.u32  }
0x73: {  	s1 =	rddreg [dreg:$0x1];
	p0 =	sne.s32 s2, $0x0  }
0x74: {  	s3 =	rddreg [dreg:$0x2];
	[bflag:$0x3] =	sbarrier.arrive $0xFFFF;
	s2 =	simm.s32 @!p0 $0x1C01  }
0x75: {  	[timem:s3], [sflag:s2] =	dma.local @!p0 [hbm:s0], s1  }
0x76: {  	s0 =	simm.s32 @!p0 $0x1  }
0x77: {  	_ =	swait.ge @!p0 [sflag:s0], s1  }
0x78: {  	s1 =	ssub.s32 @!p0 $0x0, s1;
	[sflag:s0] =	ssyncset.done @!p0 $0x0  }
0x79: {  	[sflag:s0] =	ssyncadd.s32 @!p0 s1  }
0x7a: {  	[bflag:$0x3] =	sbarrier.arrive $0xFFFF  }
0x7b: {  	_ =	shalt  }

// kernel: sparse-core-data-format-call.cloned.1.call-start
scs
called_computation_lowered:
.L_overlay_start_0:
0x0: {  	s2 =	sld [smem:$0x3FD9]  }
0x1: {  	s3 =	sld [smem:$0x3FFE];
	_ =	sdelay $0x1  }
0x2: {  	s1 =	srdreg.scid  }
0x3: {  	s0 =	sand.u32 $0x1, s1  }
0x4: {  	s18 =	sshll.u32 s0, $0xA;
	s2 =	sadd.s32 s3, s2  }
0x5: {  	s2 =	sadd.s32 s2, s18  }
0x6: {  	[smem:$0x3FC2] =	sst s2  }
0x7: {  	_ = 	snop  }
0x8: {  	(tm) =	ssettm $0x1  }
0x9: {  	s19 =	sld [smem:$0x3FFB];
	_ =	sdelay $0x3  }
0xa: {  	_ =	strace s19  }
0xb: {  	s2 =	sld [smem:$0x3FFC];
	_ =	sdelay $0x3  }
0xc: {  	_ =	strace s2  }
0xd: {  	s2 =	sld [smem:$0x3FFD];
	_ =	sdelay $0x3  }
0xe: {  	_ =	strace s2  }
0xf: {  	_ =	strace $0x8FFFFFFF  }
0x10: {  	s20 =	sld [smem:$0x3FDB];
	_ =	sdelay $0x1  }
0x11: {  	s21 =	simm.s32 $_scs_section_size  }
0x12: {  	s4 =	simm.s32 $_size__tile_overlayer_lowered;
	s5 =	simm.s32 $_tile_overlayer_lowered  }
0x13: {  	s6 =	simm.s32 $0x1BFF;
	s22 =	sshll.u32 s5, $0x1;
	s3 =	sadd.s32 s21, s20  }
0x14: {  	s23 =	simm.s32 $0x0;
	s4 =	sshll.u32 s4, $0x1;
	s5 =	sadd.s32 s22, s3  }
0x15: {  	[timem:s23], [sflag:s6] =	dma.local [hbm:s5], s4  }
0x16: {  	_ =	swait.ge [sflag:s6], s4  }
0x17: {  	s4 =	ssub.s32 $0x0, s4;
	[sflag:s6] =	ssyncset.done $0x0  }
0x18: {  	[sflag:s6] =	ssyncadd.s32 s4;
	_ =	sdelay $0x1  }
0x19: {  	s24 =	simm.s32 $0x1B8B  }
0x1a: {  	_ =	swait.ge [sflag:s24], $0x1  }
0x1b: {  	[sflag:s24] =	ssyncset.done $0x0  }
0x1c: {  	[sflag:s24] =	ssyncadd.s32 $0xFFFFFFFF  }
0x1d: {  	s4 =	sld [smem:$0x0]  }
0x1e: {  	s5 =	sand.u32 $0xFFFFFFFE, s1  }
0x1f: {  	p0 =	sne.s32 s1, s5  }
0x20: {  	s5 =	sshll.u32 @p0 s5, $0xE  }
0x21: {  	s5 =	sadd.s32 @p0 $0x11B8D, s5;
	s6 =	sshll.u32 @p0 s4, $0x11  }
0x22: {  	s5 =	sor.u32 @p0 s6, s5  }
0x23: {  	[sflag:s5] =	ssyncadd.remote.s32 @p0 $0x1;
	_ =	sdelay $0x1  }
0x24: {  	s5 =	simm.s32 @p0 $0x1B8D  }
0x25: {  	_ =	swait.eq @p0 [sflag:s5], $0x1  }
0x26: {  	[sflag:s5] =	ssyncadd.s32 @p0 $0xFFFFFFFF  }
0x27: {  	s6 =	sshll.u32 @!p0 s1, $0xE  }
0x28: {  	s6 =	sor.u32 @!p0 $0x4000, s6;
	s5 =	simm.s32 @!p0 $0x1B8D  }
0x29: {  	s4 =	sshll.u32 @!p0 s4, $0x11;
	s6 =	sadd.s32 @!p0 $0x11B8D, s6;
	_ =	swait.eq @!p0 [sflag:s5], $0x1  }
0x2a: {  	s4 =	sor.u32 @!p0 s4, s6;
	[sflag:s5] =	ssyncadd.s32 @!p0 $0xFFFFFFFF  }
0x2b: {  	s26 =	simm.s32 $0x1B8E;
	s25 =	sld [smem:$0x3FFE];
	[sflag:s4] =	ssyncadd.remote.s32 @!p0 $0x1  }
0x2c: {  	s27 =	simm.s32 $execute0_lowered;
	[smem:$0x3FD2] =	sst s26  }
0x2d: {  	s5 =	sshll.u32 s27, $0x1;
	_ =	strace $0x80000049;
	[dreg:$0x1] =	wrdreg $0xFFFFFFFF  }
0x2e: {  	s28 =	simm.s32 $_size_execute0_lowered;
	s3 =	sadd.s32 s3, s5;
	[dreg:$0x0] =	wrdreg $0x0  }
0x2f: {  	s5 =	sshll.u32 s28, $0x1;
	[dreg:$0x2] =	wrdreg s3  }
0x30: {  	[dreg:$0x3] =	wrdreg s5  }
0x31: {  	[dreg:$0x4] =	wrdreg $0xC0  }
0x32: {  	_ =	task [dreg:s23], $0x5FFFF  }
0x33: {  	[dreg:$0x1] =	wrdreg $0xFFFFFFFF  }
0x34: {  	[dreg:$0x0] =	wrdreg $0x60  }
0x35: {  	[dreg:$0x2] =	wrdreg s25  }
0x36: {  	[dreg:$0x3] =	wrdreg $0x9  }
0x37: {  	_ =	task.clear_ibuf [dreg:s23], $0x4FFFF;
	_ =	strace $0x90000049  }
0x38: {  	s29 =	simm.s32 $0x9;
	_ =	strace $0x8000004B  }
0x39: {  	_ =	swait.ge [sflag:s29], $0x1  }
0x3a: {  	[sflag:s29] =	ssyncadd.s32 $0xFFFFFFFF  }
0x3b: {  	_ =	strace $0x9000004B  }
0x3c: {  	_ =	sfence  }
0x3d: {  	s30 =	sld [smem:$0x0];
	_ =	sdelay $0x2  }
0x3e: {  	s31 =	sshll.u32 s1, $0xD;
	s1 =	sshrl.u32 s1, $0x2  }
0x3f: {  	s4 =	sand.u32 $0x4000, s31;
	s1 =	sadd.s32 s1, s30  }
0x40: {  	s0 =	sor.u32 s4, s0;
	s1 =	sshll.u32 s1, $0x11  }
0x41: {  	s0 =	sor.u32 s1, s0  }
0x42: {  	s0 =	sadd.s32 $0x8F2B, s0  }
0x43: {  	[sflag:s0] =	ssyncadd.remote.s32 $0x1  }
0x44: {  	_ =	sfence.sel $0xFFFF  }
0x45: {  	[dreg:$0x0] =	wrdreg $0xFFFFFFFF;
	(pc) =	sbr.abs _section_cstart, $3  }
0x46: {  	[dreg:$0x1] =	wrdreg $0xFFFFFFFF  }
0x47: {  	_ =	task.clear_ibuf [dreg:s23], $0x2FFFF;
	_ =	strace $0x9FFFFFFF  }
0x48: {  	(tm) =	ssettm $0x7FFFFFFF  }
0x49: {  	_ =	shalt  }
tec
execute0_lowered:
.L_overlay_start_1:
0x0: {  	(tag) =	ssettag $0x1  }
0x1: {  	s0 =	srdreg.scid  }
0x2: {  	s5 =	rddreg [dreg:$0x0];
	s1 =	stileid.u32;
	s4 =	simm.s32 $0x1  }
0x3: {  	s6 =	simm.s32 $0x2;
	s8 =	simm.s32 $0x0;
	s2 =	sshll.u32 s0, $0x4  }
0x4: {  	s9 =	simm.s32 $0x0;
	s13 =	simm.s32 $0x0;
	s2 =	sand.u32 $0x10, s2  }
.Ltmp0:
0x5: {  	s10 =	simm.s32 $0x0;
	s3 =	sor.u32 s1, s2;
	(pc) =	sbr.rel .LBB1_1-.Ltmp0, $4  }
0x6: {  	s0 =	rddreg [dreg:$0x1];
	_ =	strace $0x8000004A;
	s3 =	sshll.u32 s3, $0x4  }
0x7: {  	s12 =	simm.s32 $0x0;
	[sflag:s4] =	ssyncpa.u1 $0x0;
	s7 =	ssub.s32 $0x3D00, s3  }
0x8: {  	s2 =	sadd.s32 $0x3D1800, s5;
	[sflag:s6] =	ssyncpa.u1 $0x0;
	s6 =	sshrl.u32 s7, $0x9  }
0x9: {  	s5 =	sadd.s32 $0x5B9E00, s5;
	s11 =	smov.u32 s3;
	s7 =	sadd.s32 $0x2, s6  }
.LBB1_7:
0xa: {  	s15 =	sshll.u32 s12, $0xF  }
0xb: {  	s15 =	sand.u32 $0x8000, s15  }
0xc: {  	s16 =	sshll.u32 s10, $0x7;
	s15 =	sshrl.u32 s15, $0x1  }
0xd: {  	s16 =	sadd.s32 s5, s16;
	s15 =	sor.u32 $0x8000, s15  }
0xe: {  	[hbm4b:s16+s8] =	stream.linear.scatter [tilespmem:s15], [sflag:$0x2], s14, $0x38;
	[tilespmem:$0x10000] =	vst v63  }
.LBB1_8:
0xf: {  	p0 =	slt.u32 s12, $0x2  }
0x10: {  	p1 =	sgt.s32 @!p0 s13, $0x3CF9  }
0x11: {  	s14 =	smov.u32 s13;
	s15 =	sshra.s32 @!p0 s13, $0x1F;
	p1 =	por !p1, p0  }
0x12: {  	s13 =	sand.u32 @!p0 s15, s13;
	s14 =	simm.s32 @p1 $0x3CF9  }
0x13: {  	s13 =	ssub.s32 @!p0 s14, s13  }
0x14: {  	s13 =	sadd.s32 @!p0 $0xFFFFC307, s13  }
0x15: {  	s14 =	sshll.u32 @!p0 s13, $0xC  }
0x16: {  	p1 =	sgt.s32 @!p0 s13, $0xF;
	s13 =	ssub.s32 @!p0 $0x10000, s14  }
0x17: {  	s15 =	sadd.s32 $0x200, s11;
	p1 =	por !p1, p0;
	s13 =	sshrl.u32 @!p0 s13, $0x2  }
0x18: {  	s13 =	simm.s32 @!p1 $0x0;
	p1 =	sgt.s32 s15, $0x3D08  }
0x19: {  	s15 =	smov.u32 @p1 s3;
	p1 =	sne.s32 s12, s7  }
.Ltmp1:
0x1a: {  	_ = 	snop;
	(pc) =	sbr.rel @!p1 .LBB1_9-.Ltmp1, $4  }
0x1b: {  	s14 =	simm.s32 @!p0 $0x2  }
0x1c: {  	s9 =	sadd.s32 $0x8000, s9;
	_ =	swait.ge @!p0 [sflag:s14], s13;
	s16 =	ssub.s32 @!p0 $0x0, s13  }
0x1d: {  	s13 =	smov.u32 s10;
	s12 =	sadd.s32 $0x1, s12;
	[sflag:s14] =	ssyncset.done @!p0 $0x0  }
0x1e: {  	s10 =	smov.u32 s11;
	s11 =	smov.u32 s15;
	[sflag:s14] =	ssyncadd.s32 @!p0 s16  }
.LBB1_1:
0x1f: {  	p0 =	sgt.u32 s12, s6  }
0x20: {  	p1 =	sgt.s32 @!p0 s11, $0x3CF9  }
0x21: {  	s14 =	smov.u32 s11;
	s15 =	sshra.s32 @!p0 s11, $0x1F;
	p1 =	por !p1, p0  }
0x22: {  	s15 =	sand.u32 @!p0 s15, s11;
	s14 =	simm.s32 @p1 $0x3CF9  }
0x23: {  	s14 =	ssub.s32 @!p0 s14, s15  }
0x24: {  	s14 =	sadd.s32 @!p0 $0xFFFFC307, s14  }
0x25: {  	s16 =	sshll.u32 @!p0 s11, $0x7;
	s17 =	simm.s32 @!p0 $0x0;
	s15 =	sshll.u32 @!p0 s14, $0xC  }
0x26: {  	p1 =	sgt.s32 @!p0 s14, $0xF;
	s14 =	ssub.s32 @!p0 $0x10000, s15;
	s15 =	sxor.u32 @!p0 $0xFFFFFFFF, s12  }
0x27: {  	p1 =	por !p1, p0;
	s14 =	sshrl.u32 @!p0 s14, $0x2;
	s15 =	sshll.u32 @!p0 s15, $0xE  }
0x28: {  	s16 =	sadd.s32 @!p0 s2, s16;
	s14 =	simm.s32 @!p1 $0x0;
	s15 =	sand.u32 @!p0 $0x4000, s15  }
0x29: {  	[tilespmem:s15], [sflag:$0x1] =	stream.linear.gather @!p0 [hbm4b:s16+s17], s14, $0x38;
	[tilespmem:$0x10000] =	vst v63  }
0x2a: {  	p0 =	seq.s32 s12, $0x0  }
0x2b: {  	p1 =	sge.u32 @!p0 s12, s7  }
0x2c: {  	p0 =	por p0, p1  }
.Ltmp2:
0x2d: {  	_ = 	snop;
	(pc) =	sbr.rel @p0 .LBB1_8-.Ltmp2, $1  }
0x2e: {  	_ =	sdelay $0x3  }
0x2f: {  	p0 =	sgt.s32 s10, $0x3CF9;
	s14 =	smov.u32 s10;
	s15 =	sshra.s32 s10, $0x1F  }
0x30: {  	s14 =	simm.s32 @!p0 $0x3CF9;
	s15 =	sand.u32 s15, s10  }
0x31: {  	s14 =	ssub.s32 s14, s15  }
0x32: {  	s16 =	sadd.s32 $0x10, s10;
	s14 =	sadd.s32 $0xFFFFC307, s14  }
0x33: {  	p1 =	slt.s32 s16, $0x3D09;
	s30 =	sshll.u32 s14, $0xC  }
0x34: {  	s16 =	simm.s32 @!p1 $0x3D09;
	s15 =	ssub.s32 $0x10000, s30  }
0x35: {  	p0 =	sgt.s32 s14, $0xF;
	s14 =	sshrl.u32 s15, $0x2;
	s15 =	ssub.s32 s16, s10  }
0x36: {  	s14 =	simm.s32 @p0 $0x0;
	p0 =	slt.s32 s15, $0x1  }
.Ltmp3:
0x37: {  	_ = 	snop;
	(pc) =	sbr.rel @p0 .LBB1_7-.Ltmp3, $4  }
0x38: {  	_ = 	snop  }
0x39: {  	_ =	swait.ge [sflag:s4], s14  }
0x3a: {  	s31 =	ssub.s32 $0x0, s14;
	[sflag:s4] =	ssyncset.done $0x0  }
0x3b: {  	[sflag:s4] =	ssyncadd.s32 s31  }
0x3c: {  	s16 =	sshrl.u32 s9, $0x1  }
0x3d: {  	s17 =	sand.u32 $0x4000, s16  }
0x3e: {  	s18 =	simm.s32 $0x0;
	s16 =	sor.u32 $0x200, s17;
	s17 =	sor.u32 $0x8080, s17  }
.LBB1_4:
0x3f: {  	v0 =	vld [tilespmem:s16+$0xFFFFFE70]  }
0x40: {  	v1 =	vld [tilespmem:s16+$0x70]  }
0x41: {  	v2 =	vld [tilespmem:s16+$0x0]  }
0x42: {  	v3 =	vld [tilespmem:s16+$0xFFFFFE10]  }
0x43: {  	v4 =	vld [tilespmem:s16+$0x10]  }
0x44: {  	v5 =	vld [tilespmem:s16+$0xFFFFFE20]  }
0x45: {  	v7 =	vld [tilespmem:s16+$0x20]  }
0x46: {  	v11 =	vld [tilespmem:s16+$0x30];
	v6 =	vunpack.i.l.s16.s32 v0;
	v8 =	vunpack.i.u.s16.s32 v0;
	v9 =	vunpack.i.u.s16.s32 v1  }
0x47: {  	v10 =	vunpack.i.l.s16.s32 v1;
	v0 =	vunpack.i.u.s16.s32 v2;
	v1 =	vunpack.i.l.s16.s32 v2;
	v2 =	vld [tilespmem:s16+$0xFFFFFE30]  }
0x48: {  	v8 =	vpack.i.b32.b16 v9, v8;
	v9 =	vunpack.i.u.s16.s32 v3;
	v3 =	vunpack.i.l.s16.s32 v3  }
0x49: {  	v12 =	vld [tilespmem:s16+$0xFFFFFE40];
	v6 =	vpack.i.b32.b16 v10, v6;
	[tilespmem:s17+$0x70] =	vst v8;
	v8 =	vunpack.i.u.s16.s32 v4;
	v4 =	vunpack.i.l.s16.s32 v4  }
0x4a: {  	v13 =	vld [tilespmem:s16+$0x40];
	v10 =	vunpack.i.u.s16.s32 v5;
	v5 =	vunpack.i.l.s16.s32 v5;
	[tilespmem:s17+$0xFFFFFFF0] =	vst v6;
	v3 =	vpack.i.b32.b16 v4, v3  }
0x4b: {  	v6 =	vunpack.i.l.s16.s32 v7;
	v4 =	vld [tilespmem:s16+$0xFFFFFE50];
	[tilespmem:s17+$0xFFFFFF90] =	vst v3;
	v3 =	vpack.i.b32.b16 v8, v9;
	v8 =	vunpack.i.u.s16.s32 v7  }
0x4c: {  	v7 =	vunpack.i.l.s16.s32 v11;
	[tilespmem:s17+$0x10] =	vst v3;
	v3 =	vpack.i.b32.b16 v6, v5;
	v9 =	vunpack.i.u.s16.s32 v2;
	v6 =	vld [tilespmem:s16+$0x50]  }
0x4d: {  	v5 =	vunpack.i.l.s16.s32 v2;
	v2 =	vld [tilespmem:s16+$0xFFFFFE60];
	[tilespmem:s17+$0xFFFFFFA0] =	vst v3;
	v3 =	vpack.i.b32.b16 v8, v10;
	v10 =	vunpack.i.u.s16.s32 v11  }
0x4e: {  	s21 =	simm.s32 $0x0;
	v11 =	vpack.i.b32.b16 v7, v5;
	v7 =	vunpack.i.u.s16.s32 v12;
	v8 =	vunpack.i.l.s16.s32 v12;
	[tilespmem:s17+$0x20] =	vst v3;
	v3 =	vld [tilespmem:s16+$0x60]  }
0x4f: {  	s22 =	sadd.s32 $0x80, s16;
	s20 =	smov.u32 s17;
	s19 =	smov.u32 s17;
	v5 =	vld [tilespmem:s16+$0xFFFFFE00];
	[tilespmem:s17+$0xFFFFFFB0] =	vst v11;
	v10 =	vpack.i.b32.b16 v10, v9;
	v9 =	vunpack.i.u.s16.s32 v13;
	v11 =	vunpack.i.l.s16.s32 v13  }
.LBB1_5:
0x50: {  	v12 =	vld [tilespmem:s22+$0xFFFFFE70];
	[tilespmem:s20+$0x30] =	vst v10;
	v8 =	vpack.i.b32.b16 v11, v8;
	v10 =	vunpack.i.u.s16.s32 v4;
	v4 =	vunpack.i.l.s16.s32 v4  }
0x51: {  	s21 =	sadd.s32 $0x2, s21;
	v7 =	vpack.i.b32.b16 v9, v7;
	v11 =	vld [tilespmem:s22+$0x70];
	[tilespmem:s20+$0xFFFFFFC0] =	vst v8;
	v8 =	vunpack.i.u.s16.s32 v6;
	v6 =	vunpack.i.l.s16.s32 v6  }
0x52: {  	p0 =	slt.u32 s21, $0x6;
	v9 =	vld [tilespmem:s22+$0x0];
	[tilespmem:s20+$0x40] =	vst v7;
	v4 =	vpack.i.b32.b16 v6, v4;
	v6 =	vunpack.i.u.s16.s32 v2;
	v2 =	vunpack.i.l.s16.s32 v2  }
0x53: {  	v7 =	vld [tilespmem:s22+$0xFFFFFE10];
	[tilespmem:s20+$0xFFFFFFD0] =	vst v4;
	v4 =	vpack.i.b32.b16 v8, v10;
	v8 =	vunpack.i.u.s16.s32 v3;
	v3 =	vunpack.i.l.s16.s32 v3  }
0x54: {  	v10 =	vld [tilespmem:s22+$0x10];
	v13 =	vunpack.i.u.s16.s32 v5;
	v5 =	vunpack.i.l.s16.s32 v5;
	[tilespmem:s20+$0x50] =	vst v4;
	v2 =	vpack.i.b32.b16 v3, v2  }
0x55: {  	v3 =	vld [tilespmem:s22+$0xFFFFFE20];
	v4 =	vunpack.i.l.s16.s32 v12;
	v1 =	vpack.i.b32.b16 v1, v5;
	v5 =	vpack.i.b32.b16 v0, v13;
	[tilespmem:s20+$0xFFFFFFE0] =	vst v2  }
0x56: {  	v12 =	vunpack.i.u.s16.s32 v12;
	v2 =	vld [tilespmem:s22+$0x20];
	v13 =	vunpack.i.u.s16.s32 v11;
	v11 =	vunpack.i.l.s16.s32 v11;
	[tilespmem:s20+$0xFFFFFF80] =	vst v1  }
0x57: {  	s20 =	sadd.s32 $0x100, s20;
	v0 =	vunpack.i.u.s16.s32 v9;
	v1 =	vunpack.i.l.s16.s32 v9;
	v9 =	vld [tilespmem:s22+$0xFFFFFE30];
	v12 =	vpack.i.b32.b16 v13, v12;
	[tilespmem:s19+$0x0] =	vst v5  }
0x58: {  	v6 =	vpack.i.b32.b16 v8, v6;
	v5 =	vunpack.i.u.s16.s32 v7;
	v7 =	vunpack.i.l.s16.s32 v7;
	v13 =	vld [tilespmem:s22+$0x30];
	[tilespmem:s20+$0x70] =	vst v12  }
0x59: {  	v4 =	vpack.i.b32.b16 v11, v4;
	v8 =	vunpack.i.u.s16.s32 v10;
	v10 =	vunpack.i.l.s16.s32 v10;
	v12 =	vld [tilespmem:s22+$0xFFFFFE40];
	[tilespmem:s19+$0x60] =	vst v6;
	s19 =	smov.u32 s20  }
0x5a: {  	v6 =	vpack.i.b32.b16 v10, v7;
	v7 =	vunpack.i.u.s16.s32 v3;
	v3 =	vunpack.i.l.s16.s32 v3;
	v11 =	vld [tilespmem:s22+$0x40];
	[tilespmem:s20+$0xFFFFFFF0] =	vst v4  }
.Ltmp4:
0x5b: {  	v5 =	vpack.i.b32.b16 v8, v5;
	[tilespmem:s20+$0xFFFFFF90] =	vst v6;
	v8 =	vunpack.i.u.s16.s32 v2;
	v2 =	vunpack.i.l.s16.s32 v2;
	v4 =	vld [tilespmem:s22+$0xFFFFFE50];
	(pc) =	sbr.rel @p0 .LBB1_5-.Ltmp4, $4  }
0x5c: {  	[tilespmem:s20+$0x10] =	vst v5;
	v2 =	vpack.i.b32.b16 v2, v3;
	v10 =	vunpack.i.u.s16.s32 v9;
	v3 =	vunpack.i.l.s16.s32 v9;
	v6 =	vld [tilespmem:s22+$0x50]  }
0x5d: {  	v5 =	vpack.i.b32.b16 v8, v7;
	[tilespmem:s20+$0xFFFFFFA0] =	vst v2;
	v9 =	vunpack.i.u.s16.s32 v13;
	v7 =	vunpack.i.l.s16.s32 v13;
	v2 =	vld [tilespmem:s22+$0xFFFFFE60]  }
0x5e: {  	[tilespmem:s20+$0x20] =	vst v5;
	v13 =	vpack.i.b32.b16 v7, v3;
	v7 =	vunpack.i.u.s16.s32 v12;
	v8 =	vunpack.i.l.s16.s32 v12;
	v3 =	vld [tilespmem:s22+$0x60]  }
0x5f: {  	v10 =	vpack.i.b32.b16 v9, v10;
	v5 =	vld [tilespmem:s22+$0xFFFFFE00];
	[tilespmem:s20+$0xFFFFFFB0] =	vst v13;
	v9 =	vunpack.i.u.s16.s32 v11;
	v11 =	vunpack.i.l.s16.s32 v11;
	s22 =	sadd.s32 $0x80, s22  }
0x60: {  	[tilespmem:s20+$0x30] =	vst v10;
	v8 =	vpack.i.b32.b16 v11, v8  }
0x61: {  	v51 =	vunpack.i.l.s16.s32 v4;
	v7 =	vpack.i.b32.b16 v9, v7;
	[tilespmem:s20+$0xFFFFFFC0] =	vst v8;
	v52 =	vunpack.i.l.s16.s32 v6  }
0x62: {  	v53 =	vunpack.i.u.s16.s32 v4;
	s18 =	sadd.s32 $0x1, s18;
	v54 =	vunpack.i.u.s16.s32 v6;
	[tilespmem:s20+$0x40] =	vst v7;
	v55 =	vpack.i.b32.b16 v52, v51  }
0x63: {  	p0 =	sne.s32 s18, s15;
	v56 =	vunpack.i.l.s16.s32 v2;
	v4 =	vpack.i.b32.b16 v54, v53;
	[tilespmem:s20+$0xFFFFFFD0] =	vst v55;
	v57 =	vunpack.i.l.s16.s32 v3  }
.Ltmp5:
0x64: {  	[tilespmem:s20+$0x50] =	vst v4;
	v58 =	vunpack.i.l.s16.s32 v5;
	v59 =	vpack.i.b32.b16 v57, v56;
	(pc) =	sbr.rel @p0 .LBB1_4-.Ltmp5, $4  }
.Ltmp6:
0x65: {  	v61 =	vunpack.i.u.s16.s32 v2;
	v62 =	vunpack.i.u.s16.s32 v3;
	v1 =	vpack.i.b32.b16 v1, v58;
	[tilespmem:s20+$0xFFFFFFE0] =	vst v59;
	(pc) =	sbr.rel @!p0 .LBB1_7-.Ltmp6, $4  }
0x66: {  	v60 =	vunpack.i.u.s16.s32 v5;
	v63 =	vpack.i.b32.b16 v62, v61;
	[tilespmem:s20+$0xFFFFFF80] =	vst v1  }
0x67: {  	v0 =	vpack.i.b32.b16 v0, v60;
	[tilespmem:s19+$0x60] =	vst v63  }
0x68: {  	s16 =	sadd.s32 $0x400, s16;
	s17 =	sadd.s32 $0x400, s17;
	[tilespmem:s19+$0x0] =	vst v0  }
0x69: {  	_ = 	snop  }
.LBB1_9:
0x6a: {  	_ =	sfence.sel $0x180000  }
0x6b: {  	s2 =	simm.s32 $0x1;
	[bflag:$0x0] =	sbarrier.arrive $0xFFFF  }
0x6c: {  	s31 =	simm.s32 $0x2;
	[sflag:s2] =	ssyncpa.u1 $0x1  }
0x6d: {  	[sflag:s31] =	ssyncpa.u1 $0x1  }
0x6e: {  	p0 =	sne.s32 s1, $0x0;
	_ =	strace $0x9000004A  }
0x6f: {  	s0 =	sadd.s32 @!p0 $0x100000, s0;
	[bflag:$0x2] =	sbarrier.arrive $0xFFFF  }
0x70: {  	[sflag:s0] =	ssyncadd.tile.s32 @!p0 $0x1;
	_ =	shalt  }
.Lfunc_end1:
_tile_overlayer_lowered:
.L_overlay_start_2:
0x71: {  	(tag) =	ssettag $0x2  }
0x72: {  	s0 =	rddreg [dreg:$0x0];
	s2 =	stileid.u32  }
0x73: {  	s1 =	rddreg [dreg:$0x1];
	p0 =	sne.s32 s2, $0x0  }
0x74: {  	s3 =	rddreg [dreg:$0x2];
	[bflag:$0x3] =	sbarrier.arrive $0xFFFF;
	s2 =	simm.s32 @!p0 $0x1C01  }
0x75: {  	[timem:s3], [sflag:s2] =	dma.local @!p0 [hbm:s0], s1  }
0x76: {  	s0 =	simm.s32 @!p0 $0x1  }
0x77: {  	_ =	swait.ge @!p0 [sflag:s0], s1  }
0x78: {  	s1 =	ssub.s32 @!p0 $0x0, s1;
	[sflag:s0] =	ssyncset.done @!p0 $0x0  }
0x79: {  	[sflag:s0] =	ssyncadd.s32 @!p0 s1  }
0x7a: {  	[bflag:$0x3] =	sbarrier.arrive $0xFFFF  }
0x7b: {  	_ =	shalt  }

</sc_bundles>
